<compile_context>
chip_gen: v7x
topology: tpu7x:2x2x1
jax: 0.10.2.dev20260603
libtpu: 0.0.44.dev20260713+nightly
codegen_flags: <defaults>
</compile_context>

<pallas_src>
import functools
import jax
import jax.numpy as jnp
from jax import lax
from jax.experimental import pallas as pl
from jax.experimental.pallas import tpu as pltpu, tpu_sc as plsc


def kernel(x, pe):
    B, S, D = x.shape
    NC, NS = 2, 16
    NW = NC * NS
    N = B * S * D
    PER_W = N // NW
    CH = 16384
    N_CHUNKS = PER_W // CH
    S_ELEMS = S * D

    x_flat = x.reshape(N)
    pe_flat = pe[:S].reshape(S_ELEMS)

    mesh = plsc.VectorSubcoreMesh(core_axis_name="c", subcore_axis_name="s")

    @functools.partial(
        pl.kernel,
        mesh=mesh,
        out_type=jax.ShapeDtypeStruct((N,), jnp.float32),
        scratch_types=[
            pltpu.VMEM((2, CH), jnp.float32),
            pltpu.VMEM((2, CH), jnp.float32),
            pltpu.VMEM((2, CH), jnp.float32),
            pltpu.SemaphoreType.DMA,
            pltpu.SemaphoreType.DMA,
            pltpu.SemaphoreType.DMA,
            pltpu.SemaphoreType.DMA,
            pltpu.SemaphoreType.DMA,
            pltpu.SemaphoreType.DMA,
        ],
    )
    def k(x_hbm, pe_hbm, o_hbm, xbuf, pebuf, obuf,
          ldx0, ldx1, ldp0, ldp1, st0, st1):
        ldx = (ldx0, ldx1)
        ldp = (ldp0, ldp1)
        st = (st0, st1)
        wid = lax.axis_index("s") * NC + lax.axis_index("c")
        base = wid * PER_W
        pe_base = lax.rem(base, S_ELEMS)

        def issue_loads(g, b):
            off = base + g * CH
            poff = pe_base + g * CH
            pltpu.make_async_copy(
                x_hbm.at[pl.ds(off, CH)], xbuf.at[b], ldx[b]).start()
            pltpu.make_async_copy(
                pe_hbm.at[pl.ds(poff, CH)], pebuf.at[b], ldp[b]).start()

        issue_loads(0, 0)
        issue_loads(1, 1)

        def pair_body(p, _):
            for b in range(2):
                g = p * 2 + b
                xb, pb, ob = xbuf.at[b], pebuf.at[b], obuf.at[b]
                pltpu.make_async_copy(
                    x_hbm.at[pl.ds(base, CH)], xb, ldx[b]).wait()
                pltpu.make_async_copy(
                    pe_hbm.at[pl.ds(pe_base, CH)], pb, ldp[b]).wait()

                @pl.when(p >= 1)
                def _():
                    pltpu.make_async_copy(
                        ob, o_hbm.at[pl.ds(base, CH)], st[b]).wait()

                @plsc.parallel_loop(0, CH // 16, unroll=8)
                def vec_body(i):
                    sl = pl.ds(i * 16, 16)
                    ob[sl] = xb[sl] + pb[sl]

                pltpu.make_async_copy(
                    ob, o_hbm.at[pl.ds(base + g * CH, CH)], st[b]).start()

                @pl.when(g + 2 < N_CHUNKS)
                def _():
                    issue_loads(g + 2, b)

            return 0

        lax.fori_loop(0, N_CHUNKS // 2, pair_body, 0)

        for b in range(2):
            pltpu.make_async_copy(
                obuf.at[b], o_hbm.at[pl.ds(base, CH)], st[b]).wait()

    out = k(x_flat, pe_flat)
    return out.reshape(B, S, D)

# --- scband reference (transcript-rebuilt; emitter-appended) ---
"""Pipeline reference for scband-learned-positional-encoding-2748779070111 (READ-ONLY COPY).

The authoritative reference and input builder live on the scoring server;
editing this copy changes nothing except your own understanding.
"""

import jax, jax.numpy as jnp
import numpy as np

MAX_LEN = 8192
D_MODEL = 1024
BATCH = 4
SEQ = 8192

def setup_inputs(seed: int = 0) -> dict:
    key = jax.random.key(seed)
    k1, k2 = jax.random.split(key)
    x = jax.random.normal(k1, (BATCH, SEQ, D_MODEL), dtype=jnp.float32)
    pe = jax.random.normal(k2, (MAX_LEN, D_MODEL), dtype=jnp.float32) * 0.02
    return {"x": x, "pe": pe}

def reference(x, pe):
    # positions = arange(0, x.size(1)).unsqueeze(0)
    positions = jnp.arange(x.shape[1])[None, :]  # [1, S]
    # embedding lookup: pe(positions) -> [1, S, d_model]
    pos_embed = jnp.take(pe, positions, axis=0)
    return x + pos_embed

if __name__ == "__main__":
    import jax
    _d = setup_inputs()
    print(jax.jit(kernel)(*tuple(_d.values())))

</pallas_src>

<mosaic_0001>
#map = affine_map<(d0, d1) -> (0)>
module attributes {stable_mosaic.version = 14 : i64} {
  func.func @k(%arg0: i32, %arg1: i32, %arg2: memref<33554432xf32, #tpu.memory_space<hbm>>, %arg3: memref<8388608xf32, #tpu.memory_space<hbm>>, %arg4: memref<33554432xf32, #tpu.memory_space<hbm>>, %arg5: memref<2x16384xf32, #tpu.memory_space<vmem>>, %arg6: memref<2x16384xf32, #tpu.memory_space<vmem>>, %arg7: memref<2x16384xf32, #tpu.memory_space<vmem>>, %arg8: memref<!tpu.dma_semaphore, #tpu.memory_space<semaphore_mem>>, %arg9: memref<!tpu.dma_semaphore, #tpu.memory_space<semaphore_mem>>, %arg10: memref<!tpu.dma_semaphore, #tpu.memory_space<semaphore_mem>>, %arg11: memref<!tpu.dma_semaphore, #tpu.memory_space<semaphore_mem>>, %arg12: memref<!tpu.dma_semaphore, #tpu.memory_space<semaphore_mem>>, %arg13: memref<!tpu.dma_semaphore, #tpu.memory_space<semaphore_mem>>) attributes {dimension_semantics = [#tpu.dimension_semantics<core_parallel>, #tpu.dimension_semantics<subcore_parallel>], iteration_bounds = array<i64: 2, 16>, scalar_prefetch = 0 : i64, scratch_operands = 9 : i64, tpu.core_type = #tpu.core_type<sc_vector_subcore>, window_params = [{transform_indices = #map}, {transform_indices = #map}, {transform_indices = #map}]} {
    %mul3A = arith.constant 2 : i32
    %mul3A_0 = arith.muli %arg1, %mul3A : i32
    %add3A = arith.addi %mul3A_0, %arg0 : i32
    %mul3A_1 = arith.constant 1048576 : i32
    %mul3A_2 = arith.muli %add3A, %mul3A_1 : i32
    %rem3A = arith.constant 8388608 : i32
    %rem3A_3 = arith.remsi %mul3A_2, %rem3A : i32
    %add3A_4 = arith.constant 0 : i32
    %add3A_5 = arith.addi %mul3A_2, %add3A_4 : i32
    %add3A_6 = arith.constant 0 : i32
    %add3A_7 = arith.addi %rem3A_3, %add3A_6 : i32
    %dma_start3A = arith.constant 0 : i32
    %dma_start3A_8 = arith.constant 0 : i32
    %dma_start3A_9 = tpu.memref_slice %arg5[%dma_start3A, %dma_start3A_8] : memref<2x16384xf32, #tpu.memory_space<vmem>> -> memref<1x16384xf32, #tpu.memory_space<vmem>>
    %dma_start3A_10 = tpu.memref_squeeze %dma_start3A_9 : memref<1x16384xf32, #tpu.memory_space<vmem>> -> memref<16384xf32, #tpu.memory_space<vmem>>
    %dma_start3A_11 = tpu.memref_slice %arg2[%add3A_5] : memref<33554432xf32, #tpu.memory_space<hbm>> -> memref<16384xf32, #tpu.memory_space<hbm>>
    %dma_start3A_12 = arith.constant 0 : i32
    %dma_start3A_13 = tpu.memref_slice %arg5[%dma_start3A, %dma_start3A_12] : memref<2x16384xf32, #tpu.memory_space<vmem>> -> memref<1x16384xf32, #tpu.memory_space<vmem>>
    %dma_start3A_14 = tpu.memref_squeeze %dma_start3A_13 : memref<1x16384xf32, #tpu.memory_space<vmem>> -> memref<16384xf32, #tpu.memory_space<vmem>>
    %dma_start3A_15 = tpu.memref_slice %arg2[%add3A_5] : memref<33554432xf32, #tpu.memory_space<hbm>> -> memref<16384xf32, #tpu.memory_space<hbm>>
    tpu.enqueue_dma source(%dma_start3A_15 : memref<16384xf32, #tpu.memory_space<hbm>>) target(%dma_start3A_14 : memref<16384xf32, #tpu.memory_space<vmem>>) target_semaphore(%arg8 : memref<!tpu.dma_semaphore, #tpu.memory_space<semaphore_mem>>)
    %dma_start3A_16 = arith.constant 0 : i32
    %dma_start3A_17 = arith.constant 0 : i32
    %dma_start3A_18 = tpu.memref_slice %arg6[%dma_start3A_16, %dma_start3A_17] : memref<2x16384xf32, #tpu.memory_space<vmem>> -> memref<1x16384xf32, #tpu.memory_space<vmem>>
    %dma_start3A_19 = tpu.memref_squeeze %dma_start3A_18 : memref<1x16384xf32, #tpu.memory_space<vmem>> -> memref<16384xf32, #tpu.memory_space<vmem>>
    %dma_start3A_20 = tpu.memref_slice %arg3[%add3A_7] : memref<8388608xf32, #tpu.memory_space<hbm>> -> memref<16384xf32, #tpu.memory_space<hbm>>
    %dma_start3A_21 = arith.constant 0 : i32
    %dma_start3A_22 = tpu.memref_slice %arg6[%dma_start3A_16, %dma_start3A_21] : memref<2x16384xf32, #tpu.memory_space<vmem>> -> memref<1x16384xf32, #tpu.memory_space<vmem>>
    %dma_start3A_23 = tpu.memref_squeeze %dma_start3A_22 : memref<1x16384xf32, #tpu.memory_space<vmem>> -> memref<16384xf32, #tpu.memory_space<vmem>>
    %dma_start3A_24 = tpu.memref_slice %arg3[%add3A_7] : memref<8388608xf32, #tpu.memory_space<hbm>> -> memref<16384xf32, #tpu.memory_space<hbm>>
    tpu.enqueue_dma source(%dma_start3A_24 : memref<16384xf32, #tpu.memory_space<hbm>>) target(%dma_start3A_23 : memref<16384xf32, #tpu.memory_space<vmem>>) target_semaphore(%arg10 : memref<!tpu.dma_semaphore, #tpu.memory_space<semaphore_mem>>)
    %add3A_25 = arith.constant 16384 : i32
    %add3A_26 = arith.addi %mul3A_2, %add3A_25 : i32
    %add3A_27 = arith.constant 16384 : i32
    %add3A_28 = arith.addi %rem3A_3, %add3A_27 : i32
    %dma_start3A_29 = arith.constant 1 : i32
    %dma_start3A_30 = arith.constant 0 : i32
    %dma_start3A_31 = tpu.memref_slice %arg5[%dma_start3A_29, %dma_start3A_30] : memref<2x16384xf32, #tpu.memory_space<vmem>> -> memref<1x16384xf32, #tpu.memory_space<vmem>>
    %dma_start3A_32 = tpu.memref_squeeze %dma_start3A_31 : memref<1x16384xf32, #tpu.memory_space<vmem>> -> memref<16384xf32, #tpu.memory_space<vmem>>
    %dma_start3A_33 = tpu.memref_slice %arg2[%add3A_26] : memref<33554432xf32, #tpu.memory_space<hbm>> -> memref<16384xf32, #tpu.memory_space<hbm>>
    %dma_start3A_34 = arith.constant 0 : i32
    %dma_start3A_35 = tpu.memref_slice %arg5[%dma_start3A_29, %dma_start3A_34] : memref<2x16384xf32, #tpu.memory_space<vmem>> -> memref<1x16384xf32, #tpu.memory_space<vmem>>
    %dma_start3A_36 = tpu.memref_squeeze %dma_start3A_35 : memref<1x16384xf32, #tpu.memory_space<vmem>> -> memref<16384xf32, #tpu.memory_space<vmem>>
    %dma_start3A_37 = tpu.memref_slice %arg2[%add3A_26] : memref<33554432xf32, #tpu.memory_space<hbm>> -> memref<16384xf32, #tpu.memory_space<hbm>>
    tpu.enqueue_dma source(%dma_start3A_37 : memref<16384xf32, #tpu.memory_space<hbm>>) target(%dma_start3A_36 : memref<16384xf32, #tpu.memory_space<vmem>>) target_semaphore(%arg9 : memref<!tpu.dma_semaphore, #tpu.memory_space<semaphore_mem>>)
    %dma_start3A_38 = arith.constant 1 : i32
    %dma_start3A_39 = arith.constant 0 : i32
    %dma_start3A_40 = tpu.memref_slice %arg6[%dma_start3A_38, %dma_start3A_39] : memref<2x16384xf32, #tpu.memory_space<vmem>> -> memref<1x16384xf32, #tpu.memory_space<vmem>>
    %dma_start3A_41 = tpu.memref_squeeze %dma_start3A_40 : memref<1x16384xf32, #tpu.memory_space<vmem>> -> memref<16384xf32, #tpu.memory_space<vmem>>
    %dma_start3A_42 = tpu.memref_slice %arg3[%add3A_28] : memref<8388608xf32, #tpu.memory_space<hbm>> -> memref<16384xf32, #tpu.memory_space<hbm>>
    %dma_start3A_43 = arith.constant 0 : i32
    %dma_start3A_44 = tpu.memref_slice %arg6[%dma_start3A_38, %dma_start3A_43] : memref<2x16384xf32, #tpu.memory_space<vmem>> -> memref<1x16384xf32, #tpu.memory_space<vmem>>
    %dma_start3A_45 = tpu.memref_squeeze %dma_start3A_44 : memref<1x16384xf32, #tpu.memory_space<vmem>> -> memref<16384xf32, #tpu.memory_space<vmem>>
    %dma_start3A_46 = tpu.memref_slice %arg3[%add3A_28] : memref<8388608xf32, #tpu.memory_space<hbm>> -> memref<16384xf32, #tpu.memory_space<hbm>>
    tpu.enqueue_dma source(%dma_start3A_46 : memref<16384xf32, #tpu.memory_space<hbm>>) target(%dma_start3A_45 : memref<16384xf32, #tpu.memory_space<vmem>>) target_semaphore(%arg11 : memref<!tpu.dma_semaphore, #tpu.memory_space<semaphore_mem>>)
    %scan3A = arith.constant 0 : i32
    %scan3A_47 = arith.constant 0 : i32
    %scan3A_48 = arith.constant 32 : i32
    %scan3A_49 = arith.addi %scan3A_47, %scan3A_48 : i32
    %scan3A_50 = arith.constant 1 : i32
    %scan3A_51 = scf.for %scan3A_70 = %scan3A_47 to %scan3A_49 step %scan3A_50 iter_args(%scan3A_71 = %scan3A) -> (i32)  : i32 {
      %mul3A_72 = arith.constant 2 : i32
      %mul3A_73 = arith.muli %scan3A_70, %mul3A_72 : i32
      %add3A_74 = arith.constant 0 : i32
      %add3A_75 = arith.addi %mul3A_73, %add3A_74 : i32
      %dma_wait3A_76 = arith.constant 0 : i32
      %dma_wait3A_77 = arith.constant 0 : i32
      %dma_wait3A_78 = tpu.memref_slice %arg5[%dma_wait3A_76, %dma_wait3A_77] : memref<2x16384xf32, #tpu.memory_space<vmem>> -> memref<1x16384xf32, #tpu.memory_space<vmem>>
      %dma_wait3A_79 = tpu.memref_squeeze %dma_wait3A_78 : memref<1x16384xf32, #tpu.memory_space<vmem>> -> memref<16384xf32, #tpu.memory_space<vmem>>
      %dma_wait3A_80 = tpu.memref_slice %arg2[%mul3A_2] : memref<33554432xf32, #tpu.memory_space<hbm>> -> memref<16384xf32, #tpu.memory_space<hbm>>
      %dma_wait3A_81 = arith.constant 0 : i32
      %dma_wait3A_82 = tpu.memref_slice %arg5[%dma_wait3A_76, %dma_wait3A_81] : memref<2x16384xf32, #tpu.memory_space<vmem>> -> memref<1x16384xf32, #tpu.memory_space<vmem>>
      %dma_wait3A_83 = tpu.memref_squeeze %dma_wait3A_82 : memref<1x16384xf32, #tpu.memory_space<vmem>> -> memref<16384xf32, #tpu.memory_space<vmem>>
      %dma_wait3A_84 = tpu.memref_slice %arg2[%mul3A_2] : memref<33554432xf32, #tpu.memory_space<hbm>> -> memref<16384xf32, #tpu.memory_space<hbm>>
      tpu.wait_dma2 semaphore(%arg8 : memref<!tpu.dma_semaphore, #tpu.memory_space<semaphore_mem>>) src(%dma_wait3A_84 : memref<16384xf32, #tpu.memory_space<hbm>>) dst(%dma_wait3A_83 : memref<16384xf32, #tpu.memory_space<vmem>>)
      %dma_wait3A_85 = arith.constant 0 : i32
      %dma_wait3A_86 = arith.constant 0 : i32
      %dma_wait3A_87 = tpu.memref_slice %arg6[%dma_wait3A_85, %dma_wait3A_86] : memref<2x16384xf32, #tpu.memory_space<vmem>> -> memref<1x16384xf32, #tpu.memory_space<vmem>>
      %dma_wait3A_88 = tpu.memref_squeeze %dma_wait3A_87 : memref<1x16384xf32, #tpu.memory_space<vmem>> -> memref<16384xf32, #tpu.memory_space<vmem>>
      %dma_wait3A_89 = tpu.memref_slice %arg3[%rem3A_3] : memref<8388608xf32, #tpu.memory_space<hbm>> -> memref<16384xf32, #tpu.memory_space<hbm>>
      %dma_wait3A_90 = arith.constant 0 : i32
      %dma_wait3A_91 = tpu.memref_slice %arg6[%dma_wait3A_85, %dma_wait3A_90] : memref<2x16384xf32, #tpu.memory_space<vmem>> -> memref<1x16384xf32, #tpu.memory_space<vmem>>
      %dma_wait3A_92 = tpu.memref_squeeze %dma_wait3A_91 : memref<1x16384xf32, #tpu.memory_space<vmem>> -> memref<16384xf32, #tpu.memory_space<vmem>>
      %dma_wait3A_93 = tpu.memref_slice %arg3[%rem3A_3] : memref<8388608xf32, #tpu.memory_space<hbm>> -> memref<16384xf32, #tpu.memory_space<hbm>>
      tpu.wait_dma2 semaphore(%arg10 : memref<!tpu.dma_semaphore, #tpu.memory_space<semaphore_mem>>) src(%dma_wait3A_93 : memref<16384xf32, #tpu.memory_space<hbm>>) dst(%dma_wait3A_92 : memref<16384xf32, #tpu.memory_space<vmem>>)
      %ge3A = arith.constant 1 : i32
      %ge3A_94 = arith.cmpi sge, %scan3A_70, %ge3A : i32
      %convert_element_type3A = arith.extui %ge3A_94 : i1 to i32
      %cond3A = arith.constant 0 : i32
      %cond3A_95 = arith.constant 0 : i32
      %cond3A_96 = arith.cmpi ne, %convert_element_type3A, %cond3A_95 : i32
      scf.if %cond3A_96 {
        %dma_wait3A_174 = arith.constant 0 : i32
        %dma_wait3A_175 = tpu.memref_slice %arg7[%cond3A, %dma_wait3A_174] : memref<2x16384xf32, #tpu.memory_space<vmem>> -> memref<1x16384xf32, #tpu.memory_space<vmem>>
        %dma_wait3A_176 = tpu.memref_squeeze %dma_wait3A_175 : memref<1x16384xf32, #tpu.memory_space<vmem>> -> memref<16384xf32, #tpu.memory_space<vmem>>
        %dma_wait3A_177 = tpu.memref_slice %arg4[%mul3A_2] : memref<33554432xf32, #tpu.memory_space<hbm>> -> memref<16384xf32, #tpu.memory_space<hbm>>
        %dma_wait3A_178 = tpu.memref_slice %arg4[%mul3A_2] : memref<33554432xf32, #tpu.memory_space<hbm>> -> memref<16384xf32, #tpu.memory_space<hbm>>
        %dma_wait3A_179 = arith.constant 0 : i32
        %dma_wait3A_180 = tpu.memref_slice %arg7[%cond3A, %dma_wait3A_179] : memref<2x16384xf32, #tpu.memory_space<vmem>> -> memref<1x16384xf32, #tpu.memory_space<vmem>>
        %dma_wait3A_181 = tpu.memref_squeeze %dma_wait3A_180 : memref<1x16384xf32, #tpu.memory_space<vmem>> -> memref<16384xf32, #tpu.memory_space<vmem>>
        tpu.wait_dma2 semaphore(%arg12 : memref<!tpu.dma_semaphore, #tpu.memory_space<semaphore_mem>>) src(%dma_wait3A_181 : memref<16384xf32, #tpu.memory_space<vmem>>) dst(%dma_wait3A_178 : memref<16384xf32, #tpu.memory_space<hbm>>)
      } else {
      }
      %parallel_loop3A = arith.constant 0 : i32
      %parallel_loop3A_97 = arith.constant 1024 : i32
      %parallel_loop3A_98 = arith.constant 1 : i32
      %parallel_loop3A_99 = arith.constant 0 : i32
      %parallel_loop3A_100 = arith.constant 0 : i32
      %parallel_loop3A_101 = arith.constant 0 : i32
      scf.for %parallel_loop3A_174 = %parallel_loop3A to %parallel_loop3A_97 step %parallel_loop3A_98  : i32 {
        %parallel_loop3A_175 = arith.constant 16 : i32
        %parallel_loop3A_176 = arith.muli %parallel_loop3A_174, %parallel_loop3A_175 : i32
        %parallel_loop3A_177 = arith.constant 0 : i32
        %parallel_loop3A_178 = tpu.memref_slice %arg5[%parallel_loop3A_99, %parallel_loop3A_177] : memref<2x16384xf32, #tpu.memory_space<vmem>> -> memref<1x16384xf32, #tpu.memory_space<vmem>>
        %parallel_loop3A_179 = tpu.memref_squeeze %parallel_loop3A_178 : memref<1x16384xf32, #tpu.memory_space<vmem>> -> memref<16384xf32, #tpu.memory_space<vmem>>
        %parallel_loop3A_180 = arith.index_cast %parallel_loop3A_176 : i32 to index
        %parallel_loop3A_181 = tpu.vector_load %parallel_loop3A_179[%parallel_loop3A_180] {strides = array<i32>} : memref<16384xf32, #tpu.memory_space<vmem>>, vector<16xf32>,
        %parallel_loop3A_182 = vector.shape_cast %parallel_loop3A_181 : vector<16xf32> to vector<16xf32>
        %parallel_loop3A_183 = arith.constant 0 : i32
        %parallel_loop3A_184 = tpu.memref_slice %arg6[%parallel_loop3A_100, %parallel_loop3A_183] : memref<2x16384xf32, #tpu.memory_space<vmem>> -> memref<1x16384xf32, #tpu.memory_space<vmem>>
        %parallel_loop3A_185 = tpu.memref_squeeze %parallel_loop3A_184 : memref<1x16384xf32, #tpu.memory_space<vmem>> -> memref<16384xf32, #tpu.memory_space<vmem>>
        %parallel_loop3A_186 = arith.index_cast %parallel_loop3A_176 : i32 to index
        %parallel_loop3A_187 = tpu.vector_load %parallel_loop3A_185[%parallel_loop3A_186] {strides = array<i32>} : memref<16384xf32, #tpu.memory_space<vmem>>, vector<16xf32>,
        %parallel_loop3A_188 = vector.shape_cast %parallel_loop3A_187 : vector<16xf32> to vector<16xf32>
        %parallel_loop3A_189 = arith.addf %parallel_loop3A_182, %parallel_loop3A_188 : vector<16xf32>
        %parallel_loop3A_190 = arith.constant 0 : i32
        %parallel_loop3A_191 = tpu.memref_slice %arg7[%parallel_loop3A_101, %parallel_loop3A_190] : memref<2x16384xf32, #tpu.memory_space<vmem>> -> memref<1x16384xf32, #tpu.memory_space<vmem>>
        %parallel_loop3A_192 = tpu.memref_squeeze %parallel_loop3A_191 : memref<1x16384xf32, #tpu.memory_space<vmem>> -> memref<16384xf32, #tpu.memory_space<vmem>>
        %parallel_loop3A_193 = arith.index_cast %parallel_loop3A_176 : i32 to index
        %parallel_loop3A_194 = tpu.vector_load %parallel_loop3A_192[%parallel_loop3A_193] {strides = array<i32>} : memref<16384xf32, #tpu.memory_space<vmem>>, vector<16xf32>,
        %parallel_loop3A_195 = vector.shape_cast %parallel_loop3A_194 : vector<16xf32> to vector<16xf32>
        %parallel_loop3A_196 = vector.shape_cast %parallel_loop3A_189 : vector<16xf32> to vector<16xf32>
        tpu.vector_store %parallel_loop3A_192[%parallel_loop3A_193], %parallel_loop3A_196 {strides = array<i32>} : memref<16384xf32, #tpu.memory_space<vmem>>, vector<16xf32>,
      } {sc.loop_unroll_factor = 8 : i64, sc.parallel_access}
      %mul3A_102 = arith.constant 16384 : i32
      %mul3A_103 = arith.muli %add3A_75, %mul3A_102 : i32
      %add3A_104 = arith.addi %mul3A_2, %mul3A_103 : i32
      %dma_start3A_105 = arith.constant 0 : i32
      %dma_start3A_106 = arith.constant 0 : i32
      %dma_start3A_107 = tpu.memref_slice %arg7[%dma_start3A_105, %dma_start3A_106] : memref<2x16384xf32, #tpu.memory_space<vmem>> -> memref<1x16384xf32, #tpu.memory_space<vmem>>
      %dma_start3A_108 = tpu.memref_squeeze %dma_start3A_107 : memref<1x16384xf32, #tpu.memory_space<vmem>> -> memref<16384xf32, #tpu.memory_space<vmem>>
      %dma_start3A_109 = tpu.memref_slice %arg4[%add3A_104] : memref<33554432xf32, #tpu.memory_space<hbm>> -> memref<16384xf32, #tpu.memory_space<hbm>>
      %dma_start3A_110 = tpu.memref_slice %arg4[%add3A_104] : memref<33554432xf32, #tpu.memory_space<hbm>> -> memref<16384xf32, #tpu.memory_space<hbm>>
      %dma_start3A_111 = arith.constant 0 : i32
      %dma_start3A_112 = tpu.memref_slice %arg7[%dma_start3A_105, %dma_start3A_111] : memref<2x16384xf32, #tpu.memory_space<vmem>> -> memref<1x16384xf32, #tpu.memory_space<vmem>>
      %dma_start3A_113 = tpu.memref_squeeze %dma_start3A_112 : memref<1x16384xf32, #tpu.memory_space<vmem>> -> memref<16384xf32, #tpu.memory_space<vmem>>
      tpu.enqueue_dma source(%dma_start3A_113 : memref<16384xf32, #tpu.memory_space<vmem>>) target(%dma_start3A_110 : memref<16384xf32, #tpu.memory_space<hbm>>) target_semaphore(%arg12 : memref<!tpu.dma_semaphore, #tpu.memory_space<semaphore_mem>>)
      %add3A_114 = arith.constant 2 : i32
      %add3A_115 = arith.addi %add3A_75, %add3A_114 : i32
      %lt3A = arith.constant 64 : i32
      %lt3A_116 = arith.cmpi slt, %add3A_115, %lt3A : i32
      %convert_element_type3A_117 = arith.extui %lt3A_116 : i1 to i32
      %cond3A_118 = arith.constant 0 : i32
      %cond3A_119 = arith.cmpi ne, %convert_element_type3A_117, %cond3A_118 : i32
      scf.if %cond3A_119 {
        %add3A_174 = arith.constant 2 : i32
        %add3A_175 = arith.addi %add3A_75, %add3A_174 : i32
        %mul3A_176 = arith.constant 16384 : i32
        %mul3A_177 = arith.muli %add3A_175, %mul3A_176 : i32
        %add3A_178 = arith.addi %mul3A_2, %mul3A_177 : i32
        %mul3A_179 = arith.constant 16384 : i32
        %mul3A_180 = arith.muli %add3A_175, %mul3A_179 : i32
        %add3A_181 = arith.addi %rem3A_3, %mul3A_180 : i32
        %dma_start3A_182 = arith.constant 0 : i32
        %dma_start3A_183 = arith.constant 0 : i32
        %dma_start3A_184 = tpu.memref_slice %arg5[%dma_start3A_182, %dma_start3A_183] : memref<2x16384xf32, #tpu.memory_space<vmem>> -> memref<1x16384xf32, #tpu.memory_space<vmem>>
        %dma_start3A_185 = tpu.memref_squeeze %dma_start3A_184 : memref<1x16384xf32, #tpu.memory_space<vmem>> -> memref<16384xf32, #tpu.memory_space<vmem>>
        %dma_start3A_186 = tpu.memref_slice %arg2[%add3A_178] : memref<33554432xf32, #tpu.memory_space<hbm>> -> memref<16384xf32, #tpu.memory_space<hbm>>
        %dma_start3A_187 = arith.constant 0 : i32
        %dma_start3A_188 = tpu.memref_slice %arg5[%dma_start3A_182, %dma_start3A_187] : memref<2x16384xf32, #tpu.memory_space<vmem>> -> memref<1x16384xf32, #tpu.memory_space<vmem>>
        %dma_start3A_189 = tpu.memref_squeeze %dma_start3A_188 : memref<1x16384xf32, #tpu.memory_space<vmem>> -> memref<16384xf32, #tpu.memory_space<vmem>>
        %dma_start3A_190 = tpu.memref_slice %arg2[%add3A_178] : memref<33554432xf32, #tpu.memory_space<hbm>> -> memref<16384xf32, #tpu.memory_space<hbm>>
        tpu.enqueue_dma source(%dma_start3A_190 : memref<16384xf32, #tpu.memory_space<hbm>>) target(%dma_start3A_189 : memref<16384xf32, #tpu.memory_space<vmem>>) target_semaphore(%arg8 : memref<!tpu.dma_semaphore, #tpu.memory_space<semaphore_mem>>)
        %dma_start3A_191 = arith.constant 0 : i32
        %dma_start3A_192 = arith.constant 0 : i32
        %dma_start3A_193 = tpu.memref_slice %arg6[%dma_start3A_191, %dma_start3A_192] : memref<2x16384xf32, #tpu.memory_space<vmem>> -> memref<1x16384xf32, #tpu.memory_space<vmem>>
        %dma_start3A_194 = tpu.memref_squeeze %dma_start3A_193 : memref<1x16384xf32, #tpu.memory_space<vmem>> -> memref<16384xf32, #tpu.memory_space<vmem>>
        %dma_start3A_195 = tpu.memref_slice %arg3[%add3A_181] : memref<8388608xf32, #tpu.memory_space<hbm>> -> memref<16384xf32, #tpu.memory_space<hbm>>
        %dma_start3A_196 = arith.constant 0 : i32
        %dma_start3A_197 = tpu.memref_slice %arg6[%dma_start3A_191, %dma_start3A_196] : memref<2x16384xf32, #tpu.memory_space<vmem>> -> memref<1x16384xf32, #tpu.memory_space<vmem>>
        %dma_start3A_198 = tpu.memref_squeeze %dma_start3A_197 : memref<1x16384xf32, #tpu.memory_space<vmem>> -> memref<16384xf32, #tpu.memory_space<vmem>>
        %dma_start3A_199 = tpu.memref_slice %arg3[%add3A_181] : memref<8388608xf32, #tpu.memory_space<hbm>> -> memref<16384xf32, #tpu.memory_space<hbm>>
        tpu.enqueue_dma source(%dma_start3A_199 : memref<16384xf32, #tpu.memory_space<hbm>>) target(%dma_start3A_198 : memref<16384xf32, #tpu.memory_space<vmem>>) target_semaphore(%arg10 : memref<!tpu.dma_semaphore, #tpu.memory_space<semaphore_mem>>)
      } else {
      }
      %mul3A_120 = arith.constant 2 : i32
      %mul3A_121 = arith.muli %scan3A_70, %mul3A_120 : i32
      %add3A_122 = arith.constant 1 : i32
      %add3A_123 = arith.addi %mul3A_121, %add3A_122 : i32
      %dma_wait3A_124 = arith.constant 1 : i32
      %dma_wait3A_125 = arith.constant 0 : i32
      %dma_wait3A_126 = tpu.memref_slice %arg5[%dma_wait3A_124, %dma_wait3A_125] : memref<2x16384xf32, #tpu.memory_space<vmem>> -> memref<1x16384xf32, #tpu.memory_space<vmem>>
      %dma_wait3A_127 = tpu.memref_squeeze %dma_wait3A_126 : memref<1x16384xf32, #tpu.memory_space<vmem>> -> memref<16384xf32, #tpu.memory_space<vmem>>
      %dma_wait3A_128 = tpu.memref_slice %arg2[%mul3A_2] : memref<33554432xf32, #tpu.memory_space<hbm>> -> memref<16384xf32, #tpu.memory_space<hbm>>
      %dma_wait3A_129 = arith.constant 0 : i32
      %dma_wait3A_130 = tpu.memref_slice %arg5[%dma_wait3A_124, %dma_wait3A_129] : memref<2x16384xf32, #tpu.memory_space<vmem>> -> memref<1x16384xf32, #tpu.memory_space<vmem>>
      %dma_wait3A_131 = tpu.memref_squeeze %dma_wait3A_130 : memref<1x16384xf32, #tpu.memory_space<vmem>> -> memref<16384xf32, #tpu.memory_space<vmem>>
      %dma_wait3A_132 = tpu.memref_slice %arg2[%mul3A_2] : memref<33554432xf32, #tpu.memory_space<hbm>> -> memref<16384xf32, #tpu.memory_space<hbm>>
      tpu.wait_dma2 semaphore(%arg9 : memref<!tpu.dma_semaphore, #tpu.memory_space<semaphore_mem>>) src(%dma_wait3A_132 : memref<16384xf32, #tpu.memory_space<hbm>>) dst(%dma_wait3A_131 : memref<16384xf32, #tpu.memory_space<vmem>>)
      %dma_wait3A_133 = arith.constant 1 : i32
      %dma_wait3A_134 = arith.constant 0 : i32
      %dma_wait3A_135 = tpu.memref_slice %arg6[%dma_wait3A_133, %dma_wait3A_134] : memref<2x16384xf32, #tpu.memory_space<vmem>> -> memref<1x16384xf32, #tpu.memory_space<vmem>>
      %dma_wait3A_136 = tpu.memref_squeeze %dma_wait3A_135 : memref<1x16384xf32, #tpu.memory_space<vmem>> -> memref<16384xf32, #tpu.memory_space<vmem>>
      %dma_wait3A_137 = tpu.memref_slice %arg3[%rem3A_3] : memref<8388608xf32, #tpu.memory_space<hbm>> -> memref<16384xf32, #tpu.memory_space<hbm>>
      %dma_wait3A_138 = arith.constant 0 : i32
      %dma_wait3A_139 = tpu.memref_slice %arg6[%dma_wait3A_133, %dma_wait3A_138] : memref<2x16384xf32, #tpu.memory_space<vmem>> -> memref<1x16384xf32, #tpu.memory_space<vmem>>
      %dma_wait3A_140 = tpu.memref_squeeze %dma_wait3A_139 : memref<1x16384xf32, #tpu.memory_space<vmem>> -> memref<16384xf32, #tpu.memory_space<vmem>>
      %dma_wait3A_141 = tpu.memref_slice %arg3[%rem3A_3] : memref<8388608xf32, #tpu.memory_space<hbm>> -> memref<16384xf32, #tpu.memory_space<hbm>>
      tpu.wait_dma2 semaphore(%arg11 : memref<!tpu.dma_semaphore, #tpu.memory_space<semaphore_mem>>) src(%dma_wait3A_141 : memref<16384xf32, #tpu.memory_space<hbm>>) dst(%dma_wait3A_140 : memref<16384xf32, #tpu.memory_space<vmem>>)
      %ge3A_142 = arith.constant 1 : i32
      %ge3A_143 = arith.cmpi sge, %scan3A_70, %ge3A_142 : i32
      %convert_element_type3A_144 = arith.extui %ge3A_143 : i1 to i32
      %cond3A_145 = arith.constant 1 : i32
      %cond3A_146 = arith.constant 0 : i32
      %cond3A_147 = arith.cmpi ne, %convert_element_type3A_144, %cond3A_146 : i32
      scf.if %cond3A_147 {
        %dma_wait3A_174 = arith.constant 0 : i32
        %dma_wait3A_175 = tpu.memref_slice %arg7[%cond3A_145, %dma_wait3A_174] : memref<2x16384xf32, #tpu.memory_space<vmem>> -> memref<1x16384xf32, #tpu.memory_space<vmem>>
        %dma_wait3A_176 = tpu.memref_squeeze %dma_wait3A_175 : memref<1x16384xf32, #tpu.memory_space<vmem>> -> memref<16384xf32, #tpu.memory_space<vmem>>
        %dma_wait3A_177 = tpu.memref_slice %arg4[%mul3A_2] : memref<33554432xf32, #tpu.memory_space<hbm>> -> memref<16384xf32, #tpu.memory_space<hbm>>
        %dma_wait3A_178 = tpu.memref_slice %arg4[%mul3A_2] : memref<33554432xf32, #tpu.memory_space<hbm>> -> memref<16384xf32, #tpu.memory_space<hbm>>
        %dma_wait3A_179 = arith.constant 0 : i32
        %dma_wait3A_180 = tpu.memref_slice %arg7[%cond3A_145, %dma_wait3A_179] : memref<2x16384xf32, #tpu.memory_space<vmem>> -> memref<1x16384xf32, #tpu.memory_space<vmem>>
        %dma_wait3A_181 = tpu.memref_squeeze %dma_wait3A_180 : memref<1x16384xf32, #tpu.memory_space<vmem>> -> memref<16384xf32, #tpu.memory_space<vmem>>
        tpu.wait_dma2 semaphore(%arg13 : memref<!tpu.dma_semaphore, #tpu.memory_space<semaphore_mem>>) src(%dma_wait3A_181 : memref<16384xf32, #tpu.memory_space<vmem>>) dst(%dma_wait3A_178 : memref<16384xf32, #tpu.memory_space<hbm>>)
      } else {
      }
      %parallel_loop3A_148 = arith.constant 0 : i32
      %parallel_loop3A_149 = arith.constant 1024 : i32
      %parallel_loop3A_150 = arith.constant 1 : i32
      %parallel_loop3A_151 = arith.constant 1 : i32
      %parallel_loop3A_152 = arith.constant 1 : i32
      %parallel_loop3A_153 = arith.constant 1 : i32
      scf.for %parallel_loop3A_174 = %parallel_loop3A_148 to %parallel_loop3A_149 step %parallel_loop3A_150  : i32 {
        %parallel_loop3A_175 = arith.constant 16 : i32
        %parallel_loop3A_176 = arith.muli %parallel_loop3A_174, %parallel_loop3A_175 : i32
        %parallel_loop3A_177 = arith.constant 0 : i32
        %parallel_loop3A_178 = tpu.memref_slice %arg5[%parallel_loop3A_151, %parallel_loop3A_177] : memref<2x16384xf32, #tpu.memory_space<vmem>> -> memref<1x16384xf32, #tpu.memory_space<vmem>>
        %parallel_loop3A_179 = tpu.memref_squeeze %parallel_loop3A_178 : memref<1x16384xf32, #tpu.memory_space<vmem>> -> memref<16384xf32, #tpu.memory_space<vmem>>
        %parallel_loop3A_180 = arith.index_cast %parallel_loop3A_176 : i32 to index
        %parallel_loop3A_181 = tpu.vector_load %parallel_loop3A_179[%parallel_loop3A_180] {strides = array<i32>} : memref<16384xf32, #tpu.memory_space<vmem>>, vector<16xf32>,
        %parallel_loop3A_182 = vector.shape_cast %parallel_loop3A_181 : vector<16xf32> to vector<16xf32>
        %parallel_loop3A_183 = arith.constant 0 : i32
        %parallel_loop3A_184 = tpu.memref_slice %arg6[%parallel_loop3A_152, %parallel_loop3A_183] : memref<2x16384xf32, #tpu.memory_space<vmem>> -> memref<1x16384xf32, #tpu.memory_space<vmem>>
        %parallel_loop3A_185 = tpu.memref_squeeze %parallel_loop3A_184 : memref<1x16384xf32, #tpu.memory_space<vmem>> -> memref<16384xf32, #tpu.memory_space<vmem>>
        %parallel_loop3A_186 = arith.index_cast %parallel_loop3A_176 : i32 to index
        %parallel_loop3A_187 = tpu.vector_load %parallel_loop3A_185[%parallel_loop3A_186] {strides = array<i32>} : memref<16384xf32, #tpu.memory_space<vmem>>, vector<16xf32>,
        %parallel_loop3A_188 = vector.shape_cast %parallel_loop3A_187 : vector<16xf32> to vector<16xf32>
        %parallel_loop3A_189 = arith.addf %parallel_loop3A_182, %parallel_loop3A_188 : vector<16xf32>
        %parallel_loop3A_190 = arith.constant 0 : i32
        %parallel_loop3A_191 = tpu.memref_slice %arg7[%parallel_loop3A_153, %parallel_loop3A_190] : memref<2x16384xf32, #tpu.memory_space<vmem>> -> memref<1x16384xf32, #tpu.memory_space<vmem>>
        %parallel_loop3A_192 = tpu.memref_squeeze %parallel_loop3A_191 : memref<1x16384xf32, #tpu.memory_space<vmem>> -> memref<16384xf32, #tpu.memory_space<vmem>>
        %parallel_loop3A_193 = arith.index_cast %parallel_loop3A_176 : i32 to index
        %parallel_loop3A_194 = tpu.vector_load %parallel_loop3A_192[%parallel_loop3A_193] {strides = array<i32>} : memref<16384xf32, #tpu.memory_space<vmem>>, vector<16xf32>,
        %parallel_loop3A_195 = vector.shape_cast %parallel_loop3A_194 : vector<16xf32> to vector<16xf32>
        %parallel_loop3A_196 = vector.shape_cast %parallel_loop3A_189 : vector<16xf32> to vector<16xf32>
        tpu.vector_store %parallel_loop3A_192[%parallel_loop3A_193], %parallel_loop3A_196 {strides = array<i32>} : memref<16384xf32, #tpu.memory_space<vmem>>, vector<16xf32>,
      } {sc.loop_unroll_factor = 8 : i64, sc.parallel_access}
      %mul3A_154 = arith.constant 16384 : i32
      %mul3A_155 = arith.muli %add3A_123, %mul3A_154 : i32
      %add3A_156 = arith.addi %mul3A_2, %mul3A_155 : i32
      %dma_start3A_157 = arith.constant 1 : i32
      %dma_start3A_158 = arith.constant 0 : i32
      %dma_start3A_159 = tpu.memref_slice %arg7[%dma_start3A_157, %dma_start3A_158] : memref<2x16384xf32, #tpu.memory_space<vmem>> -> memref<1x16384xf32, #tpu.memory_space<vmem>>
      %dma_start3A_160 = tpu.memref_squeeze %dma_start3A_159 : memref<1x16384xf32, #tpu.memory_space<vmem>> -> memref<16384xf32, #tpu.memory_space<vmem>>
      %dma_start3A_161 = tpu.memref_slice %arg4[%add3A_156] : memref<33554432xf32, #tpu.memory_space<hbm>> -> memref<16384xf32, #tpu.memory_space<hbm>>
      %dma_start3A_162 = tpu.memref_slice %arg4[%add3A_156] : memref<33554432xf32, #tpu.memory_space<hbm>> -> memref<16384xf32, #tpu.memory_space<hbm>>
      %dma_start3A_163 = arith.constant 0 : i32
      %dma_start3A_164 = tpu.memref_slice %arg7[%dma_start3A_157, %dma_start3A_163] : memref<2x16384xf32, #tpu.memory_space<vmem>> -> memref<1x16384xf32, #tpu.memory_space<vmem>>
      %dma_start3A_165 = tpu.memref_squeeze %dma_start3A_164 : memref<1x16384xf32, #tpu.memory_space<vmem>> -> memref<16384xf32, #tpu.memory_space<vmem>>
      tpu.enqueue_dma source(%dma_start3A_165 : memref<16384xf32, #tpu.memory_space<vmem>>) target(%dma_start3A_162 : memref<16384xf32, #tpu.memory_space<hbm>>) target_semaphore(%arg13 : memref<!tpu.dma_semaphore, #tpu.memory_space<semaphore_mem>>)
      %add3A_166 = arith.constant 2 : i32
      %add3A_167 = arith.addi %add3A_123, %add3A_166 : i32
      %lt3A_168 = arith.constant 64 : i32
      %lt3A_169 = arith.cmpi slt, %add3A_167, %lt3A_168 : i32
      %convert_element_type3A_170 = arith.extui %lt3A_169 : i1 to i32
      %cond3A_171 = arith.constant 0 : i32
      %cond3A_172 = arith.cmpi ne, %convert_element_type3A_170, %cond3A_171 : i32
      scf.if %cond3A_172 {
        %add3A_174 = arith.constant 2 : i32
        %add3A_175 = arith.addi %add3A_123, %add3A_174 : i32
        %mul3A_176 = arith.constant 16384 : i32
        %mul3A_177 = arith.muli %add3A_175, %mul3A_176 : i32
        %add3A_178 = arith.addi %mul3A_2, %mul3A_177 : i32
        %mul3A_179 = arith.constant 16384 : i32
        %mul3A_180 = arith.muli %add3A_175, %mul3A_179 : i32
        %add3A_181 = arith.addi %rem3A_3, %mul3A_180 : i32
        %dma_start3A_182 = arith.constant 1 : i32
        %dma_start3A_183 = arith.constant 0 : i32
        %dma_start3A_184 = tpu.memref_slice %arg5[%dma_start3A_182, %dma_start3A_183] : memref<2x16384xf32, #tpu.memory_space<vmem>> -> memref<1x16384xf32, #tpu.memory_space<vmem>>
        %dma_start3A_185 = tpu.memref_squeeze %dma_start3A_184 : memref<1x16384xf32, #tpu.memory_space<vmem>> -> memref<16384xf32, #tpu.memory_space<vmem>>
        %dma_start3A_186 = tpu.memref_slice %arg2[%add3A_178] : memref<33554432xf32, #tpu.memory_space<hbm>> -> memref<16384xf32, #tpu.memory_space<hbm>>
        %dma_start3A_187 = arith.constant 0 : i32
        %dma_start3A_188 = tpu.memref_slice %arg5[%dma_start3A_182, %dma_start3A_187] : memref<2x16384xf32, #tpu.memory_space<vmem>> -> memref<1x16384xf32, #tpu.memory_space<vmem>>
        %dma_start3A_189 = tpu.memref_squeeze %dma_start3A_188 : memref<1x16384xf32, #tpu.memory_space<vmem>> -> memref<16384xf32, #tpu.memory_space<vmem>>
        %dma_start3A_190 = tpu.memref_slice %arg2[%add3A_178] : memref<33554432xf32, #tpu.memory_space<hbm>> -> memref<16384xf32, #tpu.memory_space<hbm>>
        tpu.enqueue_dma source(%dma_start3A_190 : memref<16384xf32, #tpu.memory_space<hbm>>) target(%dma_start3A_189 : memref<16384xf32, #tpu.memory_space<vmem>>) target_semaphore(%arg9 : memref<!tpu.dma_semaphore, #tpu.memory_space<semaphore_mem>>)
        %dma_start3A_191 = arith.constant 1 : i32
        %dma_start3A_192 = arith.constant 0 : i32
        %dma_start3A_193 = tpu.memref_slice %arg6[%dma_start3A_191, %dma_start3A_192] : memref<2x16384xf32, #tpu.memory_space<vmem>> -> memref<1x16384xf32, #tpu.memory_space<vmem>>
        %dma_start3A_194 = tpu.memref_squeeze %dma_start3A_193 : memref<1x16384xf32, #tpu.memory_space<vmem>> -> memref<16384xf32, #tpu.memory_space<vmem>>
        %dma_start3A_195 = tpu.memref_slice %arg3[%add3A_181] : memref<8388608xf32, #tpu.memory_space<hbm>> -> memref<16384xf32, #tpu.memory_space<hbm>>
        %dma_start3A_196 = arith.constant 0 : i32
        %dma_start3A_197 = tpu.memref_slice %arg6[%dma_start3A_191, %dma_start3A_196] : memref<2x16384xf32, #tpu.memory_space<vmem>> -> memref<1x16384xf32, #tpu.memory_space<vmem>>
        %dma_start3A_198 = tpu.memref_squeeze %dma_start3A_197 : memref<1x16384xf32, #tpu.memory_space<vmem>> -> memref<16384xf32, #tpu.memory_space<vmem>>
        %dma_start3A_199 = tpu.memref_slice %arg3[%add3A_181] : memref<8388608xf32, #tpu.memory_space<hbm>> -> memref<16384xf32, #tpu.memory_space<hbm>>
        tpu.enqueue_dma source(%dma_start3A_199 : memref<16384xf32, #tpu.memory_space<hbm>>) target(%dma_start3A_198 : memref<16384xf32, #tpu.memory_space<vmem>>) target_semaphore(%arg11 : memref<!tpu.dma_semaphore, #tpu.memory_space<semaphore_mem>>)
      } else {
      }
      %scan3A_173 = arith.constant 0 : i32
      scf.yield %scan3A_173 : i32
    }
    %scan3A_52 = arith.constant 32 : i32
    %dma_wait3A = arith.constant 0 : i32
    %dma_wait3A_53 = arith.constant 0 : i32
    %dma_wait3A_54 = tpu.memref_slice %arg7[%dma_wait3A, %dma_wait3A_53] : memref<2x16384xf32, #tpu.memory_space<vmem>> -> memref<1x16384xf32, #tpu.memory_space<vmem>>
    %dma_wait3A_55 = tpu.memref_squeeze %dma_wait3A_54 : memref<1x16384xf32, #tpu.memory_space<vmem>> -> memref<16384xf32, #tpu.memory_space<vmem>>
    %dma_wait3A_56 = tpu.memref_slice %arg4[%mul3A_2] : memref<33554432xf32, #tpu.memory_space<hbm>> -> memref<16384xf32, #tpu.memory_space<hbm>>
    %dma_wait3A_57 = tpu.memref_slice %arg4[%mul3A_2] : memref<33554432xf32, #tpu.memory_space<hbm>> -> memref<16384xf32, #tpu.memory_space<hbm>>
    %dma_wait3A_58 = arith.constant 0 : i32
    %dma_wait3A_59 = tpu.memref_slice %arg7[%dma_wait3A, %dma_wait3A_58] : memref<2x16384xf32, #tpu.memory_space<vmem>> -> memref<1x16384xf32, #tpu.memory_space<vmem>>
    %dma_wait3A_60 = tpu.memref_squeeze %dma_wait3A_59 : memref<1x16384xf32, #tpu.memory_space<vmem>> -> memref<16384xf32, #tpu.memory_space<vmem>>
    tpu.wait_dma2 semaphore(%arg12 : memref<!tpu.dma_semaphore, #tpu.memory_space<semaphore_mem>>) src(%dma_wait3A_60 : memref<16384xf32, #tpu.memory_space<vmem>>) dst(%dma_wait3A_57 : memref<16384xf32, #tpu.memory_space<hbm>>)
    %dma_wait3A_61 = arith.constant 1 : i32
    %dma_wait3A_62 = arith.constant 0 : i32
    %dma_wait3A_63 = tpu.memref_slice %arg7[%dma_wait3A_61, %dma_wait3A_62] : memref<2x16384xf32, #tpu.memory_space<vmem>> -> memref<1x16384xf32, #tpu.memory_space<vmem>>
    %dma_wait3A_64 = tpu.memref_squeeze %dma_wait3A_63 : memref<1x16384xf32, #tpu.memory_space<vmem>> -> memref<16384xf32, #tpu.memory_space<vmem>>
    %dma_wait3A_65 = tpu.memref_slice %arg4[%mul3A_2] : memref<33554432xf32, #tpu.memory_space<hbm>> -> memref<16384xf32, #tpu.memory_space<hbm>>
    %dma_wait3A_66 = tpu.memref_slice %arg4[%mul3A_2] : memref<33554432xf32, #tpu.memory_space<hbm>> -> memref<16384xf32, #tpu.memory_space<hbm>>
    %dma_wait3A_67 = arith.constant 0 : i32
    %dma_wait3A_68 = tpu.memref_slice %arg7[%dma_wait3A_61, %dma_wait3A_67] : memref<2x16384xf32, #tpu.memory_space<vmem>> -> memref<1x16384xf32, #tpu.memory_space<vmem>>
    %dma_wait3A_69 = tpu.memref_squeeze %dma_wait3A_68 : memref<1x16384xf32, #tpu.memory_space<vmem>> -> memref<16384xf32, #tpu.memory_space<vmem>>
    tpu.wait_dma2 semaphore(%arg13 : memref<!tpu.dma_semaphore, #tpu.memory_space<semaphore_mem>>) src(%dma_wait3A_69 : memref<16384xf32, #tpu.memory_space<vmem>>) dst(%dma_wait3A_66 : memref<16384xf32, #tpu.memory_space<hbm>>)
    return
  }
}

</mosaic_0001>

<sc_bundles>
// kernel: kernel.3.cloned.1.call-start
scs
__scs_entry_jumppad:
0x0: {  	(pc) =	sbr.rel $0x88, $3  }
0x1: {  	(tag) =	ssettag $0x0;
	lr =	simm.s32 $0x1  }
0x2: {  	[smem:$0x3F9F] =	sst lr;
	_ =	strace $0xD0000000  }
0x3: {  	_ = 	snop  }
0x4: {  	_ = 	snop  }
0x5: {  	_ = 	snop  }
0x6: {  	_ = 	snop  }
0x7: {  	_ = 	snop  }
__scs_overlays_trampoline_lowered:
0x8: {  	[smem:$0x3FAE] =	sst s0  }
0x9: {  	[smem:$0x3FAF] =	sst s1  }
0xa: {  	[smem:$0x3FB0] =	sst s2  }
0xb: {  	[smem:$0x3FB1] =	sst s3  }
0xc: {  	[smem:$0x3FB2] =	sst s4  }
0xd: {  	[smem:$0x3FB3] =	sst s5  }
0xe: {  	[smem:$0x3FB4] =	sst s6  }
0xf: {  	[smem:$0x3FB5] =	sst s7  }
0x10: {  	[smem:$0x3FB6] =	sst s8  }
0x11: {  	[smem:$0x3FB7] =	sst s9;
	s0 =	simm.s32 @!p0 $0x0  }
0x12: {  	s1 =	sld [smem:$0x3F9D];
	s0 =	simm.s32 @p0 $0x1  }
0x13: {  	[smem:$0x3FB8] =	sst s0;
	s0 =	simm.s32 @!p1 $0x0  }
0x14: {  	s2 =	sld [smem:$0x3F9C];
	s0 =	simm.s32 @p1 $0x1  }
0x15: {  	[smem:$0x3FB9] =	sst s0;
	s0 =	simm.s32 @!p2 $0x0  }
0x16: {  	s3 =	sld [smem:$0x3FDB];
	s0 =	simm.s32 @p2 $0x1  }
0x17: {  	s4 =	simm.s32 $0x1BF5;
	[smem:$0x3FBB] =	sst s0  }
0x18: {  	s0 =	sld [smem:$0x3F9E];
	_ =	swait.ge [sflag:s4], $0x0  }
0x19: {  	s7 =	sld [smem:$0x3F9F]  }
0x1a: {  	s8 =	sadd.s32 $0xFFFFE003, lr  }
0x1b: {  	s9 =	sadd.s32 $0xFFFFFEF7, lr;
	s5 =	simm.s32 $0xFFFFFFFF;
	p2 =	slt.u32 s8, $0xFFFFF086  }
0x1c: {  	p1 =	slt.u32 s9, $0xF7A;
	s5 =	simm.s32 @!p2 $0x0  }
0x1d: {  	s5 =	simm.s32 @p1 $0x1;
	p0 =	seq.s32 s7, s2  }
0x1e: {  	s7 =	smul.u32 @!p0 $0xF7A, s2;
	p2 =	seq.s32 @!p0 s5, $0x0  }
0x1f: {  	s9 =	smul.u32 $0xF7A, s1;
	s8 =	simm.s32 @!p0 $0x1BF5;
	p2 =	por !p2, p0  }
0x20: {  	[sflag:s8] =	ssyncset.s32 @!p0 $0xFFFFF086;
	s6 =	sadd.s32 @!p0 s3, s7;
	s7 =	simm.s32 @!p0 $0x108  }
0x21: {  	s3 =	sadd.s32 s3, s9;
	s6 =	sadd.s32 @!p0 $0x88, s6;
	s7 =	simm.s32 @p2 $0x1082  }
0x22: {  	[simem:s7], [sflag:s8] =	dma.local @!p0 [hbm:s6], $0xF7A  }
0x23: {  	s9 =	sor.u32 $0xD0000000, s2;
	s6 =	simm.s32 $0x108;
	_ =	swait.ge @!p0 [sflag:s8], $0x0  }
0x24: {  	s3 =	sadd.s32 $0x88, s3;
	s6 =	simm.s32 @!p1 $0x1082;
	[sflag:s4] =	ssyncset.s32 $0xFFFFF086  }
0x25: {  	[simem:s6], [sflag:s4] =	dma.local [hbm:s3], $0xF7A  }
0x26: {  	[smem:$0x3F9F] =	sst s1;
	(tag) =	ssettag s2;
	_ =	strace s9  }
0x27: {  	s1 =	sld [smem:$0x3FAF]  }
0x28: {  	s2 =	sld [smem:$0x3FB0]  }
0x29: {  	s4 =	sld [smem:$0x3FB2]  }
0x2a: {  	p0 =	seq.s32 s5, $0x0;
	s5 =	sld [smem:$0x3FB3]  }
0x2b: {  	s6 =	sld [smem:$0x3FB4]  }
0x2c: {  	s7 =	sld [smem:$0x3FB5]  }
0x2d: {  	s3 =	simm.s32 $0x108;
	s8 =	sld [smem:$0x3FB6]  }
0x2e: {  	s3 =	simm.s32 @!p0 $0x1082;
	s9 =	sld [smem:$0x3FB7]  }
0x2f: {  	lr =	sadd.s32 s0, s3;
	s0 =	sld [smem:$0x3FAE]  }
0x30: {  	s3 =	sld [smem:$0x3FB1]  }
0x31: {  	[smem:$0x3FBA] =	sst s10  }
0x32: {  	s10 =	sld [smem:$0x3FB8];
	_ =	sdelay $0x3  }
0x33: {  	p0 =	seq.s32 s10, $0x1;
	s10 =	sld [smem:$0x3FBA];
	_ =	sdelay $0x3  }
0x34: {  	[smem:$0x3FBA] =	sst s10  }
0x35: {  	s10 =	sld [smem:$0x3FB9];
	_ =	sdelay $0x3  }
0x36: {  	p1 =	seq.s32 s10, $0x1;
	s10 =	sld [smem:$0x3FBA];
	_ =	sdelay $0x3  }
0x37: {  	[smem:$0x3FBA] =	sst s10  }
0x38: {  	s10 =	sld [smem:$0x3FBB]  }
0x39: {  	_ = 	snop;
	(pc) =	sbr.ind lr, $3  }
0x3a: {  	_ = 	snop  }
0x3b: {  	_ = 	snop  }
0x3c: {  	p2 =	seq.s32 s10, $0x1;
	s10 =	sld [smem:$0x3FBA]  }
0x3d: {  	_ =	shalt  }
0x3e: {  	_ =	shalt  }
0x3f: {  	_ =	shalt  }
0x40: {  	_ =	shalt  }
0x41: {  	_ =	shalt  }
0x42: {  	_ =	shalt  }
0x43: {  	_ =	shalt  }
0x44: {  	_ =	shalt  }
0x45: {  	_ =	shalt  }
0x46: {  	_ =	shalt  }
0x47: {  	_ =	shalt  }
0x48: {  	_ =	shalt  }
0x49: {  	_ =	shalt  }
0x4a: {  	_ =	shalt  }
0x4b: {  	_ =	shalt  }
0x4c: {  	_ =	shalt  }
0x4d: {  	_ =	shalt  }
0x4e: {  	_ =	shalt  }
0x4f: {  	_ =	shalt  }
0x50: {  	_ =	shalt  }
0x51: {  	_ =	shalt  }
0x52: {  	_ =	shalt  }
0x53: {  	_ =	shalt  }
0x54: {  	_ =	shalt  }
0x55: {  	_ =	shalt  }
0x56: {  	_ =	shalt  }
0x57: {  	_ =	shalt  }
0x58: {  	_ =	shalt  }
0x59: {  	_ =	shalt  }
0x5a: {  	_ =	shalt  }
0x5b: {  	_ =	shalt  }
0x5c: {  	_ =	shalt  }
0x5d: {  	_ =	shalt  }
0x5e: {  	_ =	shalt  }
0x5f: {  	_ =	shalt  }
0x60: {  	_ =	shalt  }
0x61: {  	_ =	shalt  }
0x62: {  	_ =	shalt  }
0x63: {  	_ =	shalt  }
0x64: {  	_ =	shalt  }
0x65: {  	_ =	shalt  }
0x66: {  	_ =	shalt  }
0x67: {  	_ =	shalt  }
0x68: {  	_ =	shalt  }
0x69: {  	_ =	shalt  }
0x6a: {  	_ =	shalt  }
0x6b: {  	_ =	shalt  }
0x6c: {  	_ =	shalt  }
0x6d: {  	_ =	shalt  }
0x6e: {  	_ =	shalt  }
0x6f: {  	_ =	shalt  }
0x70: {  	_ =	shalt  }
0x71: {  	_ =	shalt  }
0x72: {  	_ =	shalt  }
0x73: {  	_ =	shalt  }
0x74: {  	_ =	shalt  }
0x75: {  	_ =	shalt  }
0x76: {  	_ =	shalt  }
0x77: {  	_ =	shalt  }
0x78: {  	_ =	shalt  }
0x79: {  	_ =	shalt  }
0x7a: {  	_ =	shalt  }
0x7b: {  	_ =	shalt  }
0x7c: {  	_ =	shalt  }
0x7d: {  	_ =	shalt  }
0x7e: {  	_ =	shalt  }
0x7f: {  	_ =	shalt  }
0x80: {  	_ =	shalt  }
0x81: {  	_ =	shalt  }
0x82: {  	_ =	shalt  }
0x83: {  	_ =	shalt  }
0x84: {  	_ =	shalt  }
0x85: {  	_ =	shalt  }
0x86: {  	_ =	shalt  }
0x87: {  	_ =	shalt  }
.Lfunc_end0:
.L_simem_size_0:
called_computation.2_lowered:
.L_overlay_start_0:
0x88: {  	s2 =	sld [smem:$0x3FD9]  }
0x89: {  	s3 =	sld [smem:$0x3FFE];
	_ =	sdelay $0x1  }
0x8a: {  	s1 =	srdreg.scid  }
0x8b: {  	s0 =	sand.u32 $0x1, s1  }
0x8c: {  	s17 =	sshll.u32 s0, $0xA;
	s2 =	sadd.s32 s3, s2  }
0x8d: {  	s2 =	sadd.s32 s2, s17  }
0x8e: {  	[smem:$0x3FC6] =	sst s2  }
0x8f: {  	_ = 	snop  }
0x90: {  	s2 =	sld [smem:$0x3FD0];
	(tm) =	ssettm $0x1  }
0x91: {  	s18 =	sld [smem:$0x3FFB];
	_ =	sdelay $0x3  }
0x92: {  	_ =	strace s18  }
0x93: {  	s3 =	sld [smem:$0x3FFC];
	_ =	sdelay $0x3  }
0x94: {  	_ =	strace s3  }
0x95: {  	s3 =	sld [smem:$0x3FFD];
	_ =	sdelay $0x3  }
0x96: {  	_ =	strace s3  }
0x97: {  	_ =	strace $0x8FFFFFFF  }
0x98: {  	s19 =	sld [smem:$0x3FDB];
	_ =	sdelay $0x1  }
0x99: {  	s4 =	simm.s32 $_scs_section_size  }
0x9a: {  	s5 =	simm.s32 $_size__tile_overlayer_lowered;
	s6 =	simm.s32 $_tile_overlayer_lowered  }
0x9b: {  	s22 =	simm.s32 $0x1BFF;
	s21 =	sshll.u32 s6, $0x1;
	s3 =	sadd.s32 s4, s19  }
0x9c: {  	s7 =	simm.s32 $0x0;
	s20 =	sshll.u32 s5, $0x1;
	s5 =	sadd.s32 s21, s3  }
0x9d: {  	[timem:s7], [sflag:s22] =	dma.local [hbm:s5], s20  }
0x9e: {  	_ =	swait.ge [sflag:s22], s20  }
0x9f: {  	s4 =	ssub.s32 $0x0, s20;
	[sflag:s22] =	ssyncset.done $0x0  }
0xa0: {  	[sflag:s22] =	ssyncadd.s32 s4;
	_ =	sdelay $0x1  }
0xa1: {  	s23 =	simm.s32 $0x1B8B  }
0xa2: {  	_ =	swait.ge [sflag:s23], $0x1  }
0xa3: {  	[sflag:s23] =	ssyncset.done $0x0  }
0xa4: {  	s25 =	simm.s32 $0x1B8E;
	s24 =	sld [smem:$0x3FFE];
	[sflag:s23] =	ssyncadd.s32 $0xFFFFFFFF  }
0xa5: {  	s26 =	simm.s32 $execute0_lowered;
	[smem:$0x3FD2] =	sst s25  }
0xa6: {  	s5 =	sshll.u32 s26, $0x1;
	_ =	strace $0x8000004C;
	[dreg:$0x1] =	wrdreg $0xFFFFFFFF  }
0xa7: {  	s28 =	simm.s32 $_size_execute0_lowered;
	s3 =	sadd.s32 s3, s5;
	[dreg:$0x0] =	wrdreg $0x0  }
0xa8: {  	s5 =	sshll.u32 s28, $0x1;
	[dreg:$0x2] =	wrdreg s3  }
0xa9: {  	[dreg:$0x3] =	wrdreg s5  }
0xaa: {  	[dreg:$0x4] =	wrdreg $0xC0  }
0xab: {  	_ =	task [dreg:s7], $0x5FFFF  }
0xac: {  	[dreg:$0x1] =	wrdreg $0xFFFFFFFF  }
0xad: {  	[dreg:$0x0] =	wrdreg $0x60  }
0xae: {  	[dreg:$0x2] =	wrdreg s2  }
0xaf: {  	[dreg:$0x3] =	wrdreg s24  }
0xb0: {  	[dreg:$0x4] =	wrdreg $0x9  }
0xb1: {  	_ =	task.clear_ibuf [dreg:s7], $0x5FFFF;
	_ =	strace $0x9000004C  }
0xb2: {  	s29 =	simm.s32 $0x9;
	_ =	strace $0x8000004E  }
0xb3: {  	_ =	swait.ge [sflag:s29], $0x1  }
0xb4: {  	[sflag:s29] =	ssyncadd.s32 $0xFFFFFFFF  }
0xb5: {  	_ =	strace $0x9000004E  }
0xb6: {  	_ =	sfence  }
0xb7: {  	s30 =	sld [smem:$0x0];
	_ =	sdelay $0x2  }
0xb8: {  	s31 =	sshll.u32 s1, $0xD;
	s1 =	sshrl.u32 s1, $0x2  }
0xb9: {  	s3 =	sand.u32 $0x4000, s31;
	s1 =	sadd.s32 s1, s30  }
0xba: {  	s0 =	sor.u32 s3, s0;
	s1 =	sshll.u32 s1, $0x11  }
0xbb: {  	s0 =	sor.u32 s1, s0  }
0xbc: {  	s0 =	sadd.s32 $0x8F2B, s0  }
0xbd: {  	[sflag:s0] =	ssyncadd.remote.s32 $0x1  }
0xbe: {  	_ =	sfence.sel $0xFFFF  }
0xbf: {  	[dreg:$0x0] =	wrdreg $0xFFFFFFFF;
	(pc) =	sbr.abs _section_cstart, $3  }
0xc0: {  	[dreg:$0x1] =	wrdreg $0xFFFFFFFF  }
0xc1: {  	_ =	task.clear_ibuf [dreg:s7], $0x2FFFF;
	_ =	strace $0x9FFFFFFF  }
0xc2: {  	(tm) =	ssettm $0x7FFFFFFF  }
0xc3: {  	_ =	shalt  }
tec
execute0_lowered:
.L_overlay_start_1:
0x0: {  	(tag) =	ssettag $0x1  }
0x1: {  	s1 =	rddreg [dreg:$0x0]  }
0x2: {  	s5 =	rddreg [dreg:$0x1]  }
0x3: {  	s0 =	rddreg [dreg:$0x2]  }
0x4: {  	s3 =	simm.s32 $0x0;
	s4 =	srdreg.scid;
	s2 =	stileid.u32  }
0x5: {  	s13 =	simm.s32 $0x1;
	s14 =	simm.s32 $0x3;
	s15 =	simm.s32 $0x2  }
0x6: {  	s16 =	simm.s32 $0x4;
	s17 =	simm.s32 $0x5;
	s18 =	simm.s32 $0x6  }
0x7: {  	s19 =	simm.s32 $0x0;
	[smem:$0x7FF] =	sst s3;
	s7 =	sand.u32 $0x1, s4  }
0x8: {  	s6 =	sshll.u32 s2, $0x15;
	s4 =	sadd.s32 $0xC00, s5;
	s8 =	sshll.u32 s7, $0x14  }
.Ltmp0:
0x9: {  	s5 =	sadd.s32 $0x100C00, s5;
	s6 =	sor.u32 s8, s6;
	(pc) =	sbr.rel .LBB2_1-.Ltmp0, $4  }
0xa: {  	_ =	strace $0x8000004D;
	s9 =	ssub.s32 $0x2, s7;
	s7 =	sand.u32 $0x700000, s6  }
0xb: {  	s10 =	sshrl.u32 s9, $0x1;
	s8 =	sshrl.u32 s6, $0x3;
	s11 =	sshrl.u32 s7, $0x3  }
0xc: {  	s12 =	ssub.s32 s9, s10;
	s8 =	sadd.s32 s1, s8;
	s9 =	sadd.s32 s4, s11  }
0xd: {  	s12 =	smax.u32 s12, $0x1;
	s10 =	sadd.s32 $0x800, s8;
	s11 =	sadd.s32 $0x800, s9  }
.LBB2_30:
0xe: {  	s19 =	sadd.s32 $0x1, s19  }
0xf: {  	_ =	swait.ge [sflag:s17], $0x4000;
	p0 =	sne.s32 s19, s12  }
.Ltmp1:
0x10: {  	[sflag:s17] =	ssyncset.done $0x0;
	(pc) =	sbr.rel @!p0 .LBB2_31-.Ltmp1, $4  }
0x11: {  	[sflag:s17] =	ssyncadd.s32 $0xFFFFC000  }
0x12: {  	_ =	swait.ge [sflag:s18], $0x4000  }
0x13: {  	[sflag:s18] =	ssyncset.done $0x0  }
0x14: {  	[sflag:s18] =	ssyncadd.s32 $0xFFFFC000  }
.LBB2_1:
0x15: {  	s20 =	simm.s32 $0x10  }
0x16: {  	s23 =	sadd.s32 $0x0, s8;
	s21 =	simm.s32 $0x100;
	s22 =	simm.s32 $0x0  }
.LBB2_2:
0x17: {  	[tilespmem:s22], [sflag:$0x1] =	stream.linear.gather [hbm4b:s23+s3], $0x80, $0x38;
	[tilespmem:$0x18000] =	vst v63  }
0x18: {  	s23 =	smov.u32 s20;
	s22 =	smov.u32 s21;
	p0 =	sne.s32 s20, $0x7F0  }
.Ltmp2:
0x19: {  	s20 =	sadd.s32 $0x10, s20;
	(pc) =	sbr.rel @p0 .LBB2_2-.Ltmp2, $2  }
0x1a: {  	_ =	sdelay $0x2  }
0x1b: {  	s21 =	sadd.s32 $0x100, s21;
	s23 =	sadd.s32 s23, s8  }
0x1c: {  	[tilespmem:s22], [sflag:$0x1] =	stream.linear.gather [hbm4b:s23+s3], $0x80, $0x38;
	[tilespmem:$0x18000] =	vst v63  }
0x1d: {  	s20 =	simm.s32 $0x8000  }
0x1e: {  	s21 =	simm.s32 $0x10;
	s23 =	sadd.s32 $0x0, s9;
	s22 =	simm.s32 $0x8100  }
.LBB2_4:
0x1f: {  	[tilespmem:s20], [sflag:$0x3] =	stream.linear.gather [hbm4b:s23+s3], $0x80, $0x38;
	[tilespmem:$0x18000] =	vst v63  }
0x20: {  	s23 =	smov.u32 s21;
	s20 =	smov.u32 s22;
	p0 =	sne.s32 s21, $0x7F0  }
.Ltmp3:
0x21: {  	s21 =	sadd.s32 $0x10, s21;
	(pc) =	sbr.rel @p0 .LBB2_4-.Ltmp3, $2  }
0x22: {  	_ =	sdelay $0x2  }
0x23: {  	s22 =	sadd.s32 $0x100, s22;
	s23 =	sadd.s32 s23, s9  }
0x24: {  	[tilespmem:s20], [sflag:$0x3] =	stream.linear.gather [hbm4b:s23+s3], $0x80, $0x38;
	[tilespmem:$0x18000] =	vst v63  }
0x25: {  	s20 =	simm.s32 $0x80  }
0x26: {  	s21 =	simm.s32 $0x10;
	s23 =	sadd.s32 $0x0, s10;
	s22 =	simm.s32 $0x180  }
.LBB2_6:
0x27: {  	[tilespmem:s20], [sflag:$0x2] =	stream.linear.gather [hbm4b:s23+s3], $0x80, $0x38;
	[tilespmem:$0x18000] =	vst v63  }
0x28: {  	s23 =	smov.u32 s21;
	s20 =	smov.u32 s22;
	p0 =	sne.s32 s21, $0x7F0  }
.Ltmp4:
0x29: {  	s21 =	sadd.s32 $0x10, s21;
	(pc) =	sbr.rel @p0 .LBB2_6-.Ltmp4, $2  }
0x2a: {  	_ =	sdelay $0x2  }
0x2b: {  	s22 =	sadd.s32 $0x100, s22;
	s23 =	sadd.s32 s23, s10  }
0x2c: {  	[tilespmem:s20], [sflag:$0x2] =	stream.linear.gather [hbm4b:s23+s3], $0x80, $0x38;
	[tilespmem:$0x18000] =	vst v63  }
0x2d: {  	s20 =	simm.s32 $0x0;
	s21 =	simm.s32 $0x8080  }
0x2e: {  	s22 =	simm.s32 $0x10;
	s24 =	sadd.s32 $0x0, s11;
	s23 =	simm.s32 $0x8180  }
.LBB2_8:
0x2f: {  	[tilespmem:s21], [sflag:$0x4] =	stream.linear.gather [hbm4b:s24+s20], $0x80, $0x38;
	[tilespmem:$0x18000] =	vst v63  }
0x30: {  	s24 =	smov.u32 s22;
	s21 =	smov.u32 s23;
	p0 =	sne.s32 s22, $0x7F0  }
.Ltmp5:
0x31: {  	s22 =	sadd.s32 $0x10, s22;
	(pc) =	sbr.rel @p0 .LBB2_8-.Ltmp5, $2  }
0x32: {  	_ =	sdelay $0x2  }
0x33: {  	s23 =	sadd.s32 $0x100, s23;
	s24 =	sadd.s32 s24, s11  }
0x34: {  	[tilespmem:s21], [sflag:$0x4] =	stream.linear.gather [hbm4b:s24+s20], $0x80, $0x38;
	[tilespmem:$0x18000] =	vst v63  }
.LBB2_10:
0x35: {  	_ =	swait.ge [sflag:s13], $0x4000  }
0x36: {  	[sflag:s13] =	ssyncset.done $0x0  }
0x37: {  	[sflag:s13] =	ssyncadd.s32 $0xFFFFC000  }
0x38: {  	_ =	swait.ge [sflag:s14], $0x4000  }
0x39: {  	p0 =	seq.s32 s20, $0x0;
	[sflag:s14] =	ssyncset.done $0x0  }
0x3a: {  	s21 =	simm.s32 @!p0 $0x5;
	[sflag:s14] =	ssyncadd.s32 $0xFFFFC000  }
0x3b: {  	_ =	swait.ge @!p0 [sflag:s21], $0x4000  }
0x3c: {  	[sflag:s21] =	ssyncset.done @!p0 $0x0  }
0x3d: {  	s25 =	simm.s32 $0x40;
	[sflag:s21] =	ssyncadd.s32 @!p0 $0xFFFFC000  }
0x3e: {  	s22 =	simm.s32 $0x8040;
	v1 =	vld [tilespmem:s25+$0x30]  }
0x3f: {  	v2 =	vld [tilespmem:s22+$0x30]  }
0x40: {  	v0 =	vld [tilespmem:s22+$0xFFFFFFC0]  }
0x41: {  	v3 =	vld [tilespmem:s25+$0xFFFFFFD0]  }
0x42: {  	v4 =	vld [tilespmem:s22+$0xFFFFFFD0]  }
0x43: {  	v5 =	vld [tilespmem:s25+$0xFFFFFFE0]  }
0x44: {  	v6 =	vld [tilespmem:s22+$0xFFFFFFE0]  }
0x45: {  	v7 =	vld [tilespmem:s25+$0xFFFFFFF0]  }
0x46: {  	v8 =	vld [tilespmem:s22+$0xFFFFFFF0]  }
0x47: {  	v9 =	vld [tilespmem:s25+$0x0]  }
0x48: {  	v10 =	vld [tilespmem:s22+$0x0];
	v2 =	vadd.f32 v2, v1  }
0x49: {  	s23 =	simm.s32 $0x10040;
	v4 =	vadd.f32 v4, v3;
	v1 =	vld [tilespmem:s25+$0x10]  }
0x4a: {  	v5 =	vadd.f32 v6, v5;
	v3 =	vld [tilespmem:s22+$0x10];
	[tilespmem:s23+$0x30] =	vst v2  }
0x4b: {  	v6 =	vadd.f32 v8, v7;
	[tilespmem:s23+$0xFFFFFFD0] =	vst v4;
	v2 =	vld [tilespmem:s25+$0x20]  }
0x4c: {  	[tilespmem:s23+$0xFFFFFFE0] =	vst v5;
	v5 =	vld [tilespmem:s22+$0x20]  }
0x4d: {  	s24 =	simm.s32 $0x0;
	s21 =	sshll.u32 s20, $0xF;
	v4 =	vld [tilespmem:s25+$0xFFFFFFC0];
	[tilespmem:s23+$0xFFFFFFF0] =	vst v6;
	v6 =	vadd.f32 v10, v9;
	s25 =	simm.s32 $0x140  }
.LBB2_11:
0x4e: {  	v7 =	vld [tilespmem:s25+$0x30];
	s22 =	sadd.s32 $0x100, s22  }
0x4f: {  	s24 =	sadd.s32 $0x8, s24;
	v8 =	vld [tilespmem:s22+$0x30];
	[tilespmem:s23+$0x0] =	vst v6;
	v1 =	vadd.f32 v3, v1  }
0x50: {  	p1 =	slt.u32 s24, $0x3F8;
	v3 =	vld [tilespmem:s22+$0xFFFFFFC0]  }
0x51: {  	v6 =	vld [tilespmem:s25+$0xFFFFFFD0];
	[tilespmem:s23+$0x10] =	vst v1;
	v1 =	vadd.f32 v5, v2  }
0x52: {  	v2 =	vld [tilespmem:s22+$0xFFFFFFD0];
	v9 =	vadd.f32 v0, v4  }
0x53: {  	v4 =	vld [tilespmem:s25+$0xFFFFFFE0];
	[tilespmem:s23+$0x20] =	vst v1  }
0x54: {  	v1 =	vld [tilespmem:s22+$0xFFFFFFE0];
	v5 =	vadd.f32 v8, v7;
	[tilespmem:s23+$0xFFFFFFC0] =	vst v9  }
0x55: {  	s23 =	sadd.s32 $0x100, s23;
	v7 =	vld [tilespmem:s25+$0xFFFFFFF0];
	v0 =	vmov v3  }
0x56: {  	v8 =	vld [tilespmem:s22+$0xFFFFFFF0];
	[tilespmem:s23+$0x30] =	vst v5  }
0x57: {  	v2 =	vadd.f32 v2, v6;
	v6 =	vld [tilespmem:s25+$0x0]  }
0x58: {  	v9 =	vld [tilespmem:s22+$0x0]  }
.Ltmp6:
0x59: {  	[tilespmem:s23+$0xFFFFFFD0] =	vst v2;
	v2 =	vadd.f32 v1, v4;
	v1 =	vld [tilespmem:s25+$0x10];
	(pc) =	sbr.rel @p1 .LBB2_11-.Ltmp6, $4  }
0x5a: {  	v3 =	vld [tilespmem:s22+$0x10]  }
0x5b: {  	[tilespmem:s23+$0xFFFFFFE0] =	vst v2;
	v7 =	vadd.f32 v8, v7;
	v2 =	vld [tilespmem:s25+$0x20]  }
0x5c: {  	v5 =	vld [tilespmem:s22+$0x20]  }
0x5d: {  	v4 =	vld [tilespmem:s25+$0xFFFFFFC0];
	[tilespmem:s23+$0xFFFFFFF0] =	vst v7;
	v6 =	vadd.f32 v9, v6;
	s25 =	sadd.s32 $0x100, s25  }
0x5e: {  	_ =	sdelay $0x1  }
0x5f: {  	v1 =	vadd.f32 v3, v1  }
0x60: {  	s22 =	sor.u32 s6, s21;
	[tilespmem:s23+$0x0] =	vst v6;
	v2 =	vadd.f32 v5, v2  }
0x61: {  	s22 =	sshrl.u32 s22, $0x3;
	[tilespmem:s23+$0x10] =	vst v1;
	v0 =	vadd.f32 v0, v4  }
0x62: {  	s25 =	simm.s32 $0x10000;
	s24 =	sadd.s32 s5, s22;
	[tilespmem:s23+$0x20] =	vst v2  }
0x63: {  	s26 =	simm.s32 $0x10100;
	s28 =	sadd.s32 $0x0, s24;
	[tilespmem:s23+$0xFFFFFFC0] =	vst v0;
	s23 =	simm.s32 $0x10  }
.LBB2_13:
0x64: {  	[hbm4b:s28+s3] =	stream.linear.scatter [tilespmem:s25], [sflag:$0x5], $0x80, $0x38;
	[tilespmem:$0x18000] =	vst v63  }
0x65: {  	s28 =	smov.u32 s23;
	s25 =	smov.u32 s26;
	p1 =	sne.s32 s23, $0x7F0  }
.Ltmp7:
0x66: {  	s23 =	sadd.s32 $0x10, s23;
	(pc) =	sbr.rel @p1 .LBB2_13-.Ltmp7, $2  }
0x67: {  	_ =	sdelay $0x2  }
0x68: {  	s26 =	sadd.s32 $0x100, s26;
	s28 =	sadd.s32 s28, s24  }
0x69: {  	p1 =	seq.s32 s20, $0x1F  }
.Ltmp8:
0x6a: {  	_ = 	snop;
	(pc) =	sbr.rel @p1 .LBB2_20-.Ltmp8, $2  }
0x6b: {  	_ =	sdelay $0x2  }
0x6c: {  	[hbm4b:s28+s3] =	stream.linear.scatter [tilespmem:s25], [sflag:$0x5], $0x80, $0x38;
	[tilespmem:$0x18000] =	vst v63  }
0x6d: {  	s23 =	sadd.s32 $0x8000, s21  }
0x6e: {  	s24 =	sadd.s32 s6, s23  }
0x6f: {  	s24 =	sshrl.u32 s24, $0x3  }
0x70: {  	s25 =	simm.s32 $0x0;
	s24 =	sadd.s32 s1, s24  }
0x71: {  	s26 =	simm.s32 $0x10;
	s28 =	simm.s32 $0x100;
	s29 =	sadd.s32 $0x0, s24  }
.LBB2_16:
0x72: {  	[tilespmem:s25], [sflag:$0x1] =	stream.linear.gather [hbm4b:s29+s3], $0x80, $0x38;
	[tilespmem:$0x18000] =	vst v63  }
0x73: {  	s29 =	smov.u32 s26;
	s25 =	smov.u32 s28;
	p2 =	sne.s32 s26, $0x7F0  }
.Ltmp9:
0x74: {  	s26 =	sadd.s32 $0x10, s26;
	(pc) =	sbr.rel @p2 .LBB2_16-.Ltmp9, $2  }
0x75: {  	_ =	sdelay $0x2  }
0x76: {  	s28 =	sadd.s32 $0x100, s28;
	s29 =	sadd.s32 s29, s24  }
0x77: {  	[tilespmem:s25], [sflag:$0x1] =	stream.linear.gather [hbm4b:s29+s3], $0x80, $0x38;
	[tilespmem:$0x18000] =	vst v63  }
0x78: {  	s23 =	sadd.s32 s7, s23  }
0x79: {  	s23 =	sshrl.u32 s23, $0x3  }
0x7a: {  	s24 =	simm.s32 $0x8000;
	s23 =	sadd.s32 s4, s23  }
0x7b: {  	s25 =	simm.s32 $0x10;
	s26 =	simm.s32 $0x8100;
	s28 =	sadd.s32 $0x0, s23  }
.LBB2_18:
0x7c: {  	[tilespmem:s24], [sflag:$0x3] =	stream.linear.gather [hbm4b:s28+s3], $0x80, $0x38;
	[tilespmem:$0x18000] =	vst v63  }
0x7d: {  	s28 =	smov.u32 s25;
	s24 =	smov.u32 s26;
	p2 =	sne.s32 s25, $0x7F0  }
.Ltmp10:
0x7e: {  	s25 =	sadd.s32 $0x10, s25;
	(pc) =	sbr.rel @p2 .LBB2_18-.Ltmp10, $2  }
0x7f: {  	_ =	sdelay $0x2  }
0x80: {  	s26 =	sadd.s32 $0x100, s26;
	s28 =	sadd.s32 s28, s23  }
0x81: {  	[tilespmem:s24], [sflag:$0x3] =	stream.linear.gather [hbm4b:s28+s3], $0x80, $0x38;
	[tilespmem:$0x18000] =	vst v63  }
.LBB2_20:
0x82: {  	_ =	swait.ge [sflag:s15], $0x4000  }
0x83: {  	[sflag:s15] =	ssyncset.done $0x0  }
0x84: {  	[sflag:s15] =	ssyncadd.s32 $0xFFFFC000  }
0x85: {  	_ =	swait.ge [sflag:s16], $0x4000  }
0x86: {  	[sflag:s16] =	ssyncset.done $0x0  }
0x87: {  	s23 =	simm.s32 @!p0 $0x6;
	[sflag:s16] =	ssyncadd.s32 $0xFFFFC000  }
0x88: {  	_ =	swait.ge @!p0 [sflag:s23], $0x4000  }
0x89: {  	[sflag:s23] =	ssyncset.done @!p0 $0x0  }
0x8a: {  	s26 =	simm.s32 $0xF0;
	[sflag:s23] =	ssyncadd.s32 @!p0 $0xFFFFC000  }
0x8b: {  	s23 =	simm.s32 $0x80F0;
	v1 =	vld [tilespmem:s26+$0x0]  }
0x8c: {  	v2 =	vld [tilespmem:s23+$0x0]  }
0x8d: {  	v0 =	vld [tilespmem:s23+$0xFFFFFF90]  }
0x8e: {  	v3 =	vld [tilespmem:s26+$0xFFFFFFA0]  }
0x8f: {  	v4 =	vld [tilespmem:s23+$0xFFFFFFA0]  }
0x90: {  	v5 =	vld [tilespmem:s26+$0xFFFFFFB0]  }
0x91: {  	v6 =	vld [tilespmem:s23+$0xFFFFFFB0]  }
0x92: {  	v7 =	vld [tilespmem:s26+$0xFFFFFFC0]  }
0x93: {  	v8 =	vld [tilespmem:s23+$0xFFFFFFC0]  }
0x94: {  	v9 =	vld [tilespmem:s26+$0xFFFFFFD0]  }
0x95: {  	v10 =	vld [tilespmem:s23+$0xFFFFFFD0];
	v2 =	vadd.f32 v2, v1  }
0x96: {  	s24 =	simm.s32 $0x100F0;
	v4 =	vadd.f32 v4, v3;
	v1 =	vld [tilespmem:s26+$0xFFFFFFE0]  }
0x97: {  	v5 =	vadd.f32 v6, v5;
	v3 =	vld [tilespmem:s23+$0xFFFFFFE0];
	[tilespmem:s24+$0x0] =	vst v2  }
0x98: {  	v6 =	vadd.f32 v8, v7;
	[tilespmem:s24+$0xFFFFFFA0] =	vst v4;
	v2 =	vld [tilespmem:s26+$0xFFFFFFF0]  }
0x99: {  	[tilespmem:s24+$0xFFFFFFB0] =	vst v5;
	v5 =	vld [tilespmem:s23+$0xFFFFFFF0]  }
0x9a: {  	s25 =	simm.s32 $0x0;
	v4 =	vld [tilespmem:s26+$0xFFFFFF90];
	[tilespmem:s24+$0xFFFFFFC0] =	vst v6;
	v6 =	vadd.f32 v10, v9;
	s26 =	simm.s32 $0x1F0  }
.LBB2_21:
0x9b: {  	v7 =	vld [tilespmem:s26+$0x0];
	s23 =	sadd.s32 $0x100, s23  }
0x9c: {  	s25 =	sadd.s32 $0x8, s25;
	v8 =	vld [tilespmem:s23+$0x0];
	[tilespmem:s24+$0xFFFFFFD0] =	vst v6;
	v1 =	vadd.f32 v3, v1  }
0x9d: {  	p0 =	slt.u32 s25, $0x3F8;
	v3 =	vld [tilespmem:s23+$0xFFFFFF90]  }
0x9e: {  	v6 =	vld [tilespmem:s26+$0xFFFFFFA0];
	[tilespmem:s24+$0xFFFFFFE0] =	vst v1;
	v1 =	vadd.f32 v5, v2  }
0x9f: {  	v2 =	vld [tilespmem:s23+$0xFFFFFFA0];
	v9 =	vadd.f32 v0, v4  }
0xa0: {  	v4 =	vld [tilespmem:s26+$0xFFFFFFB0];
	[tilespmem:s24+$0xFFFFFFF0] =	vst v1  }
0xa1: {  	v1 =	vld [tilespmem:s23+$0xFFFFFFB0];
	v5 =	vadd.f32 v8, v7;
	[tilespmem:s24+$0xFFFFFF90] =	vst v9  }
0xa2: {  	s24 =	sadd.s32 $0x100, s24;
	v7 =	vld [tilespmem:s26+$0xFFFFFFC0];
	v0 =	vmov v3  }
0xa3: {  	v8 =	vld [tilespmem:s23+$0xFFFFFFC0];
	[tilespmem:s24+$0x0] =	vst v5  }
0xa4: {  	v2 =	vadd.f32 v2, v6;
	v6 =	vld [tilespmem:s26+$0xFFFFFFD0]  }
0xa5: {  	v9 =	vld [tilespmem:s23+$0xFFFFFFD0]  }
.Ltmp11:
0xa6: {  	[tilespmem:s24+$0xFFFFFFA0] =	vst v2;
	v2 =	vadd.f32 v1, v4;
	v1 =	vld [tilespmem:s26+$0xFFFFFFE0];
	(pc) =	sbr.rel @p0 .LBB2_21-.Ltmp11, $4  }
0xa7: {  	v3 =	vld [tilespmem:s23+$0xFFFFFFE0]  }
0xa8: {  	[tilespmem:s24+$0xFFFFFFB0] =	vst v2;
	v7 =	vadd.f32 v8, v7;
	v2 =	vld [tilespmem:s26+$0xFFFFFFF0]  }
0xa9: {  	v5 =	vld [tilespmem:s23+$0xFFFFFFF0]  }
0xaa: {  	v4 =	vld [tilespmem:s26+$0xFFFFFF90];
	[tilespmem:s24+$0xFFFFFFC0] =	vst v7;
	v6 =	vadd.f32 v9, v6;
	s26 =	sadd.s32 $0x100, s26  }
0xab: {  	_ =	sdelay $0x1  }
0xac: {  	v1 =	vadd.f32 v3, v1  }
0xad: {  	[tilespmem:s24+$0xFFFFFFD0] =	vst v6;
	v2 =	vadd.f32 v5, v2  }
0xae: {  	s22 =	sadd.s32 s22, s5;
	[tilespmem:s24+$0xFFFFFFE0] =	vst v1;
	v0 =	vadd.f32 v0, v4  }
0xaf: {  	s23 =	simm.s32 $0x10080;
	s22 =	sadd.s32 $0x800, s22;
	[tilespmem:s24+$0xFFFFFFF0] =	vst v2  }
0xb0: {  	s25 =	simm.s32 $0x10180;
	s26 =	sadd.s32 $0x0, s22;
	[tilespmem:s24+$0xFFFFFF90] =	vst v0;
	s24 =	simm.s32 $0x10  }
.LBB2_23:
0xb1: {  	[hbm4b:s26+s3] =	stream.linear.scatter [tilespmem:s23], [sflag:$0x6], $0x80, $0x38;
	[tilespmem:$0x18000] =	vst v63  }
0xb2: {  	s26 =	smov.u32 s24;
	s23 =	smov.u32 s25;
	p0 =	sne.s32 s24, $0x7F0  }
.Ltmp12:
0xb3: {  	s24 =	sadd.s32 $0x10, s24;
	(pc) =	sbr.rel @p0 .LBB2_23-.Ltmp12, $2  }
0xb4: {  	_ =	sdelay $0x2  }
0xb5: {  	s25 =	sadd.s32 $0x100, s25;
	s26 =	sadd.s32 s26, s22  }
.Ltmp13:
0xb6: {  	(pc) =	sbr.rel @p1 .LBB2_30-.Ltmp13, $2  }
0xb7: {  	_ =	sdelay $0x2  }
0xb8: {  	[hbm4b:s26+s3] =	stream.linear.scatter [tilespmem:s23], [sflag:$0x6], $0x80, $0x38;
	[tilespmem:$0x18000] =	vst v63  }
0xb9: {  	s21 =	sadd.s32 $0xC000, s21  }
0xba: {  	s22 =	sadd.s32 s6, s21  }
0xbb: {  	s22 =	sshrl.u32 s22, $0x3  }
0xbc: {  	s23 =	simm.s32 $0x80;
	s22 =	sadd.s32 s1, s22  }
0xbd: {  	s24 =	simm.s32 $0x10;
	s25 =	simm.s32 $0x180;
	s26 =	sadd.s32 $0x0, s22  }
.LBB2_26:
0xbe: {  	[tilespmem:s23], [sflag:$0x2] =	stream.linear.gather [hbm4b:s26+s3], $0x80, $0x38;
	[tilespmem:$0x18000] =	vst v63  }
0xbf: {  	s26 =	smov.u32 s24;
	s23 =	smov.u32 s25;
	p0 =	sne.s32 s24, $0x7F0  }
.Ltmp14:
0xc0: {  	s24 =	sadd.s32 $0x10, s24;
	(pc) =	sbr.rel @p0 .LBB2_26-.Ltmp14, $2  }
0xc1: {  	_ =	sdelay $0x2  }
0xc2: {  	s25 =	sadd.s32 $0x100, s25;
	s26 =	sadd.s32 s26, s22  }
0xc3: {  	[tilespmem:s23], [sflag:$0x2] =	stream.linear.gather [hbm4b:s26+s3], $0x80, $0x38;
	[tilespmem:$0x18000] =	vst v63  }
0xc4: {  	s21 =	sadd.s32 s7, s21  }
0xc5: {  	s21 =	sshrl.u32 s21, $0x3  }
0xc6: {  	s22 =	simm.s32 $0x8080;
	s21 =	sadd.s32 s4, s21  }
0xc7: {  	s23 =	simm.s32 $0x10;
	s24 =	simm.s32 $0x8180;
	s25 =	sadd.s32 $0x0, s21  }
.LBB2_28:
0xc8: {  	[tilespmem:s22], [sflag:$0x4] =	stream.linear.gather [hbm4b:s25+s3], $0x80, $0x38;
	[tilespmem:$0x18000] =	vst v63  }
0xc9: {  	s25 =	smov.u32 s23;
	s22 =	smov.u32 s24;
	p0 =	sne.s32 s23, $0x7F0  }
.Ltmp15:
0xca: {  	s23 =	sadd.s32 $0x10, s23;
	(pc) =	sbr.rel @p0 .LBB2_28-.Ltmp15, $2  }
0xcb: {  	_ =	sdelay $0x2  }
0xcc: {  	s24 =	sadd.s32 $0x100, s24;
	s25 =	sadd.s32 s25, s21  }
.Ltmp16:
0xcd: {  	(pc) =	sbr.rel .LBB2_10-.Ltmp16, $3  }
0xce: {  	_ =	sdelay $0x1  }
0xcf: {  	[tilespmem:s22], [sflag:$0x4] =	stream.linear.gather [hbm4b:s25+s3], $0x80, $0x38;
	[tilespmem:$0x18000] =	vst v63  }
0xd0: {  	s20 =	sadd.s32 $0x1, s20  }
.LBB2_31:
0xd1: {  	_ =	sfence.sel $0x180000  }
0xd2: {  	[bflag:$0x0] =	sbarrier.arrive $0xFFFF  }
0xd3: {  	p0 =	sne.s32 s2, $0x0;
	_ =	strace $0x9000004D  }
0xd4: {  	s0 =	sadd.s32 @!p0 $0x100000, s0;
	[bflag:$0x2] =	sbarrier.arrive $0xFFFF  }
0xd5: {  	[sflag:s0] =	ssyncadd.tile.s32 @!p0 $0x1;
	_ =	shalt  }
.Lfunc_end2:
_tile_overlayer_lowered:
.L_overlay_start_2:
0xd6: {  	(tag) =	ssettag $0x2  }
0xd7: {  	s0 =	rddreg [dreg:$0x0];
	s2 =	stileid.u32  }
0xd8: {  	s1 =	rddreg [dreg:$0x1];
	p0 =	sne.s32 s2, $0x0  }
0xd9: {  	s3 =	rddreg [dreg:$0x2];
	[bflag:$0x3] =	sbarrier.arrive $0xFFFF;
	s2 =	simm.s32 @!p0 $0x1C07  }
0xda: {  	[timem:s3], [sflag:s2] =	dma.local @!p0 [hbm:s0], s1  }
0xdb: {  	s0 =	simm.s32 @!p0 $0x7  }
0xdc: {  	_ =	swait.ge @!p0 [sflag:s0], s1  }
0xdd: {  	s1 =	ssub.s32 @!p0 $0x0, s1;
	[sflag:s0] =	ssyncset.done @!p0 $0x0  }
0xde: {  	[sflag:s0] =	ssyncadd.s32 @!p0 s1  }
0xdf: {  	[bflag:$0x3] =	sbarrier.arrive $0xFFFF  }
0xe0: {  	_ =	shalt  }

// kernel: sparse-core-data-format-call.1.cloned.1.call-start
scs
called_computation.1_lowered:
.L_overlay_start_0:
0x0: {  	s2 =	sld [smem:$0x3FD9]  }
0x1: {  	s3 =	sld [smem:$0x3FFE];
	_ =	sdelay $0x1  }
0x2: {  	s1 =	srdreg.scid  }
0x3: {  	s0 =	sand.u32 $0x1, s1  }
0x4: {  	s19 =	sshll.u32 s0, $0xA;
	s2 =	sadd.s32 s3, s2  }
0x5: {  	s2 =	sadd.s32 s2, s19  }
0x6: {  	[smem:$0x3FC6] =	sst s2  }
0x7: {  	_ = 	snop  }
0x8: {  	s20 =	sld [smem:$0x3FC9]  }
0x9: {  	s4 =	sld [smem:$0x3FD0];
	(tm) =	ssettm $0x1  }
0xa: {  	s21 =	sld [smem:$0x3FFB];
	_ =	sdelay $0x3  }
0xb: {  	_ =	strace s21  }
0xc: {  	s2 =	sld [smem:$0x3FFC];
	_ =	sdelay $0x3  }
0xd: {  	_ =	strace s2  }
0xe: {  	s2 =	sld [smem:$0x3FFD];
	_ =	sdelay $0x3  }
0xf: {  	_ =	strace s2  }
0x10: {  	_ =	strace $0x8FFFFFFF  }
0x11: {  	s22 =	sld [smem:$0x3FDB];
	_ =	sdelay $0x1  }
0x12: {  	s5 =	simm.s32 $_scs_section_size  }
0x13: {  	s6 =	simm.s32 $_size__tile_overlayer_lowered;
	s7 =	simm.s32 $_tile_overlayer_lowered  }
0x14: {  	s8 =	simm.s32 $0x1BFF;
	s23 =	sshll.u32 s7, $0x1;
	s5 =	sadd.s32 s5, s22  }
0x15: {  	s24 =	simm.s32 $0x0;
	s6 =	sshll.u32 s6, $0x1;
	s7 =	sadd.s32 s23, s5  }
0x16: {  	[timem:s24], [sflag:s8] =	dma.local [hbm:s7], s6  }
0x17: {  	_ =	swait.ge [sflag:s8], s6  }
0x18: {  	s6 =	ssub.s32 $0x0, s6;
	[sflag:s8] =	ssyncset.done $0x0  }
0x19: {  	[sflag:s8] =	ssyncadd.s32 s6;
	_ =	sdelay $0x1  }
0x1a: {  	s25 =	simm.s32 $0x1B8B  }
0x1b: {  	_ =	swait.ge [sflag:s25], $0x1  }
0x1c: {  	[sflag:s25] =	ssyncset.done $0x0  }
0x1d: {  	[sflag:s25] =	ssyncadd.s32 $0xFFFFFFFF  }
0x1e: {  	s6 =	sld [smem:$0x0]  }
0x1f: {  	s7 =	sand.u32 $0xFFFFFFFE, s1  }
0x20: {  	p0 =	sne.s32 s1, s7  }
0x21: {  	s7 =	sshll.u32 @p0 s7, $0xE  }
0x22: {  	s7 =	sadd.s32 @p0 $0x11B8D, s7;
	s8 =	sshll.u32 @p0 s6, $0x11  }
0x23: {  	s7 =	sor.u32 @p0 s8, s7  }
0x24: {  	[sflag:s7] =	ssyncadd.remote.s32 @p0 $0x1;
	_ =	sdelay $0x1  }
0x25: {  	s7 =	simm.s32 @p0 $0x1B8D  }
0x26: {  	_ =	swait.eq @p0 [sflag:s7], $0x1  }
0x27: {  	[sflag:s7] =	ssyncadd.s32 @p0 $0xFFFFFFFF  }
0x28: {  	s8 =	sshll.u32 @!p0 s1, $0xE  }
0x29: {  	s8 =	sor.u32 @!p0 $0x4000, s8;
	s7 =	simm.s32 @!p0 $0x1B8D  }
0x2a: {  	s6 =	sshll.u32 @!p0 s6, $0x11;
	s8 =	sadd.s32 @!p0 $0x11B8D, s8;
	_ =	swait.eq @!p0 [sflag:s7], $0x1  }
0x2b: {  	s6 =	sor.u32 @!p0 s6, s8;
	[sflag:s7] =	ssyncadd.s32 @!p0 $0xFFFFFFFF  }
0x2c: {  	s26 =	simm.s32 $0x1B8E;
	[sflag:s6] =	ssyncadd.remote.s32 @!p0 $0x1  }
0x2d: {  	s27 =	simm.s32 $execute0_lowered;
	[smem:$0x3FD2] =	sst s26  }
0x2e: {  	s6 =	sshll.u32 s27, $0x1;
	_ =	strace $0x80000049;
	[dreg:$0x1] =	wrdreg $0xFFFFFFFF  }
0x2f: {  	s28 =	simm.s32 $_size_execute0_lowered;
	s5 =	sadd.s32 s5, s6;
	[dreg:$0x0] =	wrdreg $0x0  }
0x30: {  	s6 =	sshll.u32 s28, $0x1;
	[dreg:$0x2] =	wrdreg s5  }
0x31: {  	[dreg:$0x3] =	wrdreg s6  }
0x32: {  	[dreg:$0x4] =	wrdreg $0xC0  }
0x33: {  	_ =	task [dreg:s24], $0x5FFFF  }
0x34: {  	[dreg:$0x1] =	wrdreg $0xFFFFFFFF  }
0x35: {  	[dreg:$0x0] =	wrdreg $0x60  }
0x36: {  	[dreg:$0x2] =	wrdreg s20  }
0x37: {  	[dreg:$0x3] =	wrdreg s4  }
0x38: {  	[dreg:$0x4] =	wrdreg $0xA  }
0x39: {  	_ =	task.clear_ibuf [dreg:s24], $0x5FFFF;
	_ =	strace $0x90000049  }
0x3a: {  	s29 =	simm.s32 $0xA;
	_ =	strace $0x8000004B  }
0x3b: {  	_ =	swait.ge [sflag:s29], $0x1  }
0x3c: {  	[sflag:s29] =	ssyncadd.s32 $0xFFFFFFFF  }
0x3d: {  	_ =	strace $0x9000004B  }
0x3e: {  	_ =	sfence  }
0x3f: {  	s30 =	sld [smem:$0x0];
	_ =	sdelay $0x2  }
0x40: {  	s31 =	sshll.u32 s1, $0xD;
	s1 =	sshrl.u32 s1, $0x2  }
0x41: {  	s4 =	sand.u32 $0x4000, s31;
	s1 =	sadd.s32 s1, s30  }
0x42: {  	s0 =	sor.u32 s4, s0;
	s1 =	sshll.u32 s1, $0x11  }
0x43: {  	s0 =	sor.u32 s1, s0  }
0x44: {  	s0 =	sadd.s32 $0x8F2B, s0  }
0x45: {  	[sflag:s0] =	ssyncadd.remote.s32 $0x1  }
0x46: {  	_ =	sfence.sel $0xFFFF  }
0x47: {  	[dreg:$0x0] =	wrdreg $0xFFFFFFFF;
	(pc) =	sbr.abs _section_cstart, $3  }
0x48: {  	[dreg:$0x1] =	wrdreg $0xFFFFFFFF  }
0x49: {  	_ =	task.clear_ibuf [dreg:s24], $0x2FFFF;
	_ =	strace $0x9FFFFFFF  }
0x4a: {  	(tm) =	ssettm $0x7FFFFFFF  }
0x4b: {  	_ =	shalt  }
tec
execute0_lowered:
.L_overlay_start_1:
0x0: {  	(tag) =	ssettag $0x1  }
0x1: {  	s0 =	srdreg.scid  }
0x2: {  	s1 =	sshll.u32 s0, $0x4  }
0x3: {  	s2 =	rddreg [dreg:$0x0];
	s0 =	stileid.u32;
	s1 =	sand.u32 $0x10, s1  }
0x4: {  	s4 =	rddreg [dreg:$0x1];
	s1 =	sor.u32 s0, s1  }
0x5: {  	s7 =	simm.s32 $0x1;
	s8 =	simm.s32 $0x2;
	s3 =	sshll.u32 s1, $0x1  }
0x6: {  	s9 =	simm.s32 $0x0;
	s12 =	simm.s32 $0x0;
	s6 =	ssub.s32 $0x1000, s3  }
.Ltmp0:
0x7: {  	s11 =	simm.s32 $0x0;
	s5 =	sand.u32 $0x3E, s6;
	(pc) =	sbr.rel .LBB1_1-.Ltmp0, $4  }
0x8: {  	s1 =	rddreg [dreg:$0x2];
	_ =	strace $0x8000004A;
	p0 =	sne.s32 s5, $0x0  }
0x9: {  	s6 =	sshrl.u32 s6, $0x6;
	s5 =	simm.s32 $0x1;
	s7 =	simm.s32 @!p0 $0x0  }
0xa: {  	s10 =	smov.u32 s3;
	[sflag:s5] =	ssyncpa.u1 $0x0;
	s6 =	sadd.s32 s7, s6  }
0xb: {  	[sflag:s8] =	ssyncpa.u1 $0x0;
	s8 =	simm.s32 $0x0;
	s7 =	sadd.s32 $0x1, s6  }
.LBB1_9:
0xc: {  	s14 =	sadd.s32 $0x40, s10  }
0xd: {  	p1 =	sgt.s32 s14, $0xFFF  }
0xe: {  	s14 =	smov.u32 @p1 s3;
	p1 =	sne.s32 s11, s7  }
.Ltmp1:
0xf: {  	p0 =	slt.u32 s11, $0x2;
	(pc) =	sbr.rel @!p1 .LBB1_10-.Ltmp1, $4  }
0x10: {  	s13 =	simm.s32 @!p0 $0x2  }
0x11: {  	s15 =	sadd.s32 $0x1, s11;
	_ =	swait.ge @!p0 [sflag:s13], $0x4000  }
0x12: {  	s12 =	smov.u32 s10;
	s9 =	sadd.s32 $0x4000, s9;
	[sflag:s13] =	ssyncset.done @!p0 $0x0  }
0x13: {  	s11 =	smov.u32 s15;
	s10 =	smov.u32 s14;
	[sflag:s13] =	ssyncadd.s32 @!p0 $0xFFFFC000  }
.LBB1_1:
0x14: {  	p0 =	sge.u32 s11, s6  }
0x15: {  	s13 =	sxor.u32 @!p0 $0xFFFFFFFF, s11  }
0x16: {  	s31 =	sadd.s32 $0xFFFFFFFF, s11;
	s14 =	sshll.u32 @!p0 s10, $0xA;
	s13 =	sshll.u32 @!p0 s13, $0xE  }
0x17: {  	s15 =	simm.s32 @!p0 $0x0;
	s14 =	sadd.s32 @!p0 s2, s14;
	s13 =	sand.u32 @!p0 $0x4000, s13  }
0x18: {  	[tilespmem:s13], [sflag:$0x1] =	stream.linear.gather @!p0 [hbm4b:s14+s15], $0x4000, $0x38;
	[tilespmem:$0x10000] =	vst v63  }
0x19: {  	p0 =	sge.u32 s31, s6  }
.Ltmp2:
0x1a: {  	_ = 	snop;
	(pc) =	sbr.rel @p0 .LBB1_9-.Ltmp2, $1  }
0x1b: {  	_ =	sdelay $0x3  }
0x1c: {  	s13 =	sshll.u32 s9, $0x2  }
0x1d: {  	_ =	swait.ge [sflag:s5], $0x4000;
	s14 =	sshll.u32 s11, $0xE;
	s16 =	simm.s32 $0x0  }
0x1e: {  	p1 =	por $0x1, $0x1;
	s13 =	sand.u32 $0x10000, s13;
	[sflag:s5] =	ssyncset.done $0x0  }
0x1f: {  	s14 =	sand.u32 $0x4000, s14;
	s15 =	sshrl.u32 s13, $0x2;
	[sflag:s5] =	ssyncadd.s32 $0xFFFFC000  }
0x20: {  	s13 =	sor.u32 $0x8000, s14;
	s14 =	sadd.s32 $0x8040, s15;
	s15 =	sadd.s32 $0x40, s15  }
.LBB1_3:
0x21: {  	s16 =	sshll.u32 s16, $0x2  }
0x22: {  	p0 =	por p1, p1;
	s17 =	sshra.s32 s16, $0x2  }
0x23: {  	s18 =	simm.s32 $0x0;
	s16 =	sadd.s32 s17, s14;
	s17 =	sadd.s32 s17, s15  }
.LBB1_4:
0x24: {  	v0 =	vmov s17;
	_ =	sdelay $0x3  }
0x25: {  	s20 =	simm.s32 $0x0  }
0x26: {  	v6 =	vld.idx.msk [tilespmem:v0+s20+$0x30 ss:$0x1], $0xffff  }
0x27: {  	v7 =	vld.idx.msk [tilespmem:v0+s20+$0xFFFFFFC0 ss:$0x1], $0xffff  }
0x28: {  	v5 =	vld.idx.msk [tilespmem:v0+s20+$0xFFFFFFD0 ss:$0x1], $0xffff  }
0x29: {  	v4 =	vld.idx.msk [tilespmem:v0+s20+$0xFFFFFFE0 ss:$0x1], $0xffff  }
0x2a: {  	v3 =	vld.idx.msk [tilespmem:v0+s20+$0xFFFFFFF0 ss:$0x1], $0xffff  }
0x2b: {  	v1 =	vld.idx.msk [tilespmem:v0+s20+$0x0 ss:$0x1], $0xffff  }
0x2c: {  	v2 =	vld.idx.msk [tilespmem:v0+s20+$0x10 ss:$0x1], $0xffff;
	[tilespmem:s16+$0x30] =	vst v6  }
0x2d: {  	s19 =	simm.s32 $0x80;
	s21 =	simm.s32 $0x400;
	[tilespmem:s16+$0xFFFFFFC0] =	vst v7;
	v6 =	vld.idx.msk [tilespmem:v0+s20+$0x20 ss:$0x1], $0xffff;
	s20 =	smov.u32 s16  }
.LBB1_5:
0x2e: {  	p1 =	sne.s32 s21, $0xE00;
	v7 =	vld.idx.msk [tilespmem:v0+s19+$0x30 ss:$0x1], $0xffff;
	[tilespmem:s20+$0xFFFFFFD0] =	vst v5  }
0x2f: {  	v8 =	vld.idx.msk [tilespmem:v0+s19+$0xFFFFFFC0 ss:$0x1], $0xffff;
	[tilespmem:s20+$0xFFFFFFE0] =	vst v4  }
0x30: {  	v5 =	vld.idx.msk [tilespmem:v0+s19+$0xFFFFFFD0 ss:$0x1], $0xffff;
	[tilespmem:s20+$0xFFFFFFF0] =	vst v3  }
.Ltmp3:
0x31: {  	v4 =	vld.idx.msk [tilespmem:v0+s19+$0xFFFFFFE0 ss:$0x1], $0xffff;
	[tilespmem:s20+$0x0] =	vst v1;
	(pc) =	sbr.rel @p1 .LBB1_5-.Ltmp3, $4  }
0x32: {  	v3 =	vld.idx.msk [tilespmem:v0+s19+$0xFFFFFFF0 ss:$0x1], $0xffff;
	[tilespmem:s20+$0x10] =	vst v2  }
0x33: {  	v1 =	vld.idx.msk [tilespmem:v0+s19+$0x0 ss:$0x1], $0xffff;
	[tilespmem:s20+$0x20] =	vst v6;
	s20 =	sadd.s32 $0x400, s20  }
0x34: {  	v2 =	vld.idx.msk [tilespmem:v0+s19+$0x10 ss:$0x1], $0xffff;
	[tilespmem:s20+$0x30] =	vst v7  }
0x35: {  	[tilespmem:s20+$0xFFFFFFC0] =	vst v8;
	v6 =	vld.idx.msk [tilespmem:v0+s19+$0x20 ss:$0x1], $0xffff;
	s19 =	sshra.s32 s21, $0x2;
	s21 =	sadd.s32 $0x200, s21  }
0x36: {  	_ =	sdelay $0x2  }
0x37: {  	[tilespmem:s20+$0xFFFFFFD0] =	vst v5  }
0x38: {  	v56 =	vld.idx.msk [tilespmem:v0+s19+$0x30 ss:$0x1], $0xffff;
	[tilespmem:s20+$0xFFFFFFE0] =	vst v4  }
0x39: {  	v57 =	vld.idx.msk [tilespmem:v0+s19+$0xFFFFFFC0 ss:$0x1], $0xffff;
	[tilespmem:s20+$0xFFFFFFF0] =	vst v3  }
0x3a: {  	v58 =	vld.idx.msk [tilespmem:v0+s19+$0xFFFFFFD0 ss:$0x1], $0xffff;
	[tilespmem:s20+$0x0] =	vst v1  }
0x3b: {  	v59 =	vld.idx.msk [tilespmem:v0+s19+$0xFFFFFFE0 ss:$0x1], $0xffff;
	[tilespmem:s20+$0x10] =	vst v2  }
0x3c: {  	v60 =	vld.idx.msk [tilespmem:v0+s19+$0xFFFFFFF0 ss:$0x1], $0xffff;
	s31 =	sadd.s32 $0x400, s20;
	[tilespmem:s20+$0x20] =	vst v6  }
0x3d: {  	v61 =	vld.idx.msk [tilespmem:v0+s19+$0x0 ss:$0x1], $0xffff;
	[tilespmem:s31+$0x30] =	vst v56  }
0x3e: {  	v62 =	vld.idx.msk [tilespmem:v0+s19+$0x10 ss:$0x1], $0xffff;
	s18 =	sadd.s32 $0x1, s18;
	[tilespmem:s31+$0xFFFFFFC0] =	vst v57  }
0x3f: {  	v63 =	vld.idx.msk [tilespmem:v0+s19+$0x20 ss:$0x1], $0xffff;
	p1 =	sne.s32 s18, $0x8;
	[tilespmem:s31+$0xFFFFFFD0] =	vst v58  }
.Ltmp4:
0x40: {  	[tilespmem:s31+$0xFFFFFFE0] =	vst v59;
	(pc) =	sbr.rel @p1 .LBB1_4-.Ltmp4, $4  }
0x41: {  	[tilespmem:s31+$0xFFFFFFF0] =	vst v60  }
0x42: {  	[tilespmem:s31+$0x0] =	vst v61  }
0x43: {  	[tilespmem:s31+$0x10] =	vst v62  }
0x44: {  	s16 =	sadd.s32 $0x80, s16;
	s17 =	sadd.s32 $0x400, s17;
	[tilespmem:s31+$0x20] =	vst v63  }
.Ltmp5:
0x45: {  	(pc) =	sbr.rel @p0 .LBB1_3-.Ltmp5, $2  }
0x46: {  	_ =	sdelay $0x2  }
0x47: {  	s16 =	simm.s32 $0x2000;
	p1 =	por $0x0, $0x0  }
.Ltmp6:
0x48: {  	(pc) =	sbr.rel .LBB1_9-.Ltmp6, $4  }
0x49: {  	_ = 	snop  }
0x4a: {  	s12 =	sshll.u32 s12, $0xA  }
0x4b: {  	s12 =	sadd.s32 s4, s12  }
0x4c: {  	[hbm4b:s12+s8] =	stream.linear.scatter [tilespmem:s13], [sflag:$0x2], $0x4000, $0x38;
	[tilespmem:$0x10000] =	vst v63  }
.LBB1_10:
0x4d: {  	_ =	sfence.sel $0x180000  }
0x4e: {  	s2 =	simm.s32 $0x1;
	[bflag:$0x0] =	sbarrier.arrive $0xFFFF  }
0x4f: {  	s31 =	simm.s32 $0x2;
	[sflag:s2] =	ssyncpa.u1 $0x1  }
0x50: {  	[sflag:s31] =	ssyncpa.u1 $0x1  }
0x51: {  	p0 =	sne.s32 s0, $0x0;
	_ =	strace $0x9000004A  }
0x52: {  	s0 =	sadd.s32 @!p0 $0x100000, s1;
	[bflag:$0x2] =	sbarrier.arrive $0xFFFF  }
0x53: {  	[sflag:s0] =	ssyncadd.tile.s32 @!p0 $0x1;
	_ =	shalt  }
.Lfunc_end1:
_tile_overlayer_lowered:
.L_overlay_start_2:
0x54: {  	(tag) =	ssettag $0x2  }
0x55: {  	s0 =	rddreg [dreg:$0x0];
	s2 =	stileid.u32  }
0x56: {  	s1 =	rddreg [dreg:$0x1];
	p0 =	sne.s32 s2, $0x0  }
0x57: {  	s3 =	rddreg [dreg:$0x2];
	[bflag:$0x3] =	sbarrier.arrive $0xFFFF;
	s2 =	simm.s32 @!p0 $0x1C01  }
0x58: {  	[timem:s3], [sflag:s2] =	dma.local @!p0 [hbm:s0], s1  }
0x59: {  	s0 =	simm.s32 @!p0 $0x1  }
0x5a: {  	_ =	swait.ge @!p0 [sflag:s0], s1  }
0x5b: {  	s1 =	ssub.s32 @!p0 $0x0, s1;
	[sflag:s0] =	ssyncset.done @!p0 $0x0  }
0x5c: {  	[sflag:s0] =	ssyncadd.s32 @!p0 s1  }
0x5d: {  	[bflag:$0x3] =	sbarrier.arrive $0xFFFF  }
0x5e: {  	_ =	shalt  }

// kernel: sparse-core-data-format-call.cloned.1.call-start
scs
called_computation_lowered:
.L_overlay_start_0:
0x0: {  	s2 =	sld [smem:$0x3FD9]  }
0x1: {  	s3 =	sld [smem:$0x3FFE];
	_ =	sdelay $0x1  }
0x2: {  	s1 =	srdreg.scid  }
0x3: {  	s0 =	sand.u32 $0x1, s1  }
0x4: {  	s18 =	sshll.u32 s0, $0xA;
	s2 =	sadd.s32 s3, s2  }
0x5: {  	s2 =	sadd.s32 s2, s18  }
0x6: {  	[smem:$0x3FC6] =	sst s2  }
0x7: {  	_ = 	snop  }
0x8: {  	s2 =	sld [smem:$0x3FC8];
	(tm) =	ssettm $0x1  }
0x9: {  	s19 =	sld [smem:$0x3FFB];
	_ =	sdelay $0x3  }
0xa: {  	_ =	strace s19  }
0xb: {  	s3 =	sld [smem:$0x3FFC];
	_ =	sdelay $0x3  }
0xc: {  	_ =	strace s3  }
0xd: {  	s3 =	sld [smem:$0x3FFD];
	_ =	sdelay $0x3  }
0xe: {  	_ =	strace s3  }
0xf: {  	_ =	strace $0x8FFFFFFF  }
0x10: {  	s20 =	sld [smem:$0x3FDB];
	_ =	sdelay $0x1  }
0x11: {  	s4 =	simm.s32 $_scs_section_size  }
0x12: {  	s5 =	simm.s32 $_size__tile_overlayer_lowered;
	s6 =	simm.s32 $_tile_overlayer_lowered  }
0x13: {  	s23 =	simm.s32 $0x1BFF;
	s22 =	sshll.u32 s6, $0x1;
	s3 =	sadd.s32 s4, s20  }
0x14: {  	s7 =	simm.s32 $0x0;
	s21 =	sshll.u32 s5, $0x1;
	s5 =	sadd.s32 s22, s3  }
0x15: {  	[timem:s7], [sflag:s23] =	dma.local [hbm:s5], s21  }
0x16: {  	_ =	swait.ge [sflag:s23], s21  }
0x17: {  	s4 =	ssub.s32 $0x0, s21;
	[sflag:s23] =	ssyncset.done $0x0  }
0x18: {  	[sflag:s23] =	ssyncadd.s32 s4;
	_ =	sdelay $0x1  }
0x19: {  	s24 =	simm.s32 $0x1B8B  }
0x1a: {  	_ =	swait.ge [sflag:s24], $0x1  }
0x1b: {  	[sflag:s24] =	ssyncset.done $0x0  }
0x1c: {  	s26 =	simm.s32 $0x1B8E;
	s25 =	sld [smem:$0x3FFE];
	[sflag:s24] =	ssyncadd.s32 $0xFFFFFFFF  }
0x1d: {  	s27 =	simm.s32 $execute0_lowered;
	[smem:$0x3FD2] =	sst s26  }
0x1e: {  	s5 =	sshll.u32 s27, $0x1;
	_ =	strace $0x80000046;
	[dreg:$0x1] =	wrdreg $0xFFFFFFFF  }
0x1f: {  	s28 =	simm.s32 $_size_execute0_lowered;
	s3 =	sadd.s32 s3, s5;
	[dreg:$0x0] =	wrdreg $0x0  }
0x20: {  	s5 =	sshll.u32 s28, $0x1;
	[dreg:$0x2] =	wrdreg s3  }
0x21: {  	[dreg:$0x3] =	wrdreg s5  }
0x22: {  	[dreg:$0x4] =	wrdreg $0xC0  }
0x23: {  	_ =	task [dreg:s7], $0x5FFFF  }
0x24: {  	[dreg:$0x1] =	wrdreg $0xFFFFFFFF  }
0x25: {  	[dreg:$0x0] =	wrdreg $0x60  }
0x26: {  	[dreg:$0x2] =	wrdreg s2  }
0x27: {  	[dreg:$0x3] =	wrdreg s25  }
0x28: {  	[dreg:$0x4] =	wrdreg $0x9  }
0x29: {  	_ =	task.clear_ibuf [dreg:s7], $0x5FFFF;
	_ =	strace $0x90000046  }
0x2a: {  	s29 =	simm.s32 $0x9;
	_ =	strace $0x80000048  }
0x2b: {  	_ =	swait.ge [sflag:s29], $0x1  }
0x2c: {  	[sflag:s29] =	ssyncadd.s32 $0xFFFFFFFF  }
0x2d: {  	_ =	strace $0x90000048  }
0x2e: {  	_ =	sfence  }
0x2f: {  	s30 =	sld [smem:$0x0];
	_ =	sdelay $0x2  }
0x30: {  	s31 =	sshll.u32 s1, $0xD;
	s1 =	sshrl.u32 s1, $0x2  }
0x31: {  	s3 =	sand.u32 $0x4000, s31;
	s1 =	sadd.s32 s1, s30  }
0x32: {  	s0 =	sor.u32 s3, s0;
	s1 =	sshll.u32 s1, $0x11  }
0x33: {  	s0 =	sor.u32 s1, s0  }
0x34: {  	s0 =	sadd.s32 $0x8F2B, s0  }
0x35: {  	[sflag:s0] =	ssyncadd.remote.s32 $0x1  }
0x36: {  	_ =	sfence.sel $0xFFFF  }
0x37: {  	[dreg:$0x0] =	wrdreg $0xFFFFFFFF;
	(pc) =	sbr.abs _section_cstart, $3  }
0x38: {  	[dreg:$0x1] =	wrdreg $0xFFFFFFFF  }
0x39: {  	_ =	task.clear_ibuf [dreg:s7], $0x2FFFF;
	_ =	strace $0x9FFFFFFF  }
0x3a: {  	(tm) =	ssettm $0x7FFFFFFF  }
0x3b: {  	_ =	shalt  }
tec
execute0_lowered:
.L_overlay_start_1:
0x0: {  	(tag) =	ssettag $0x1  }
0x1: {  	s0 =	srdreg.scid  }
0x2: {  	s1 =	sshll.u32 s0, $0x4  }
0x3: {  	s2 =	rddreg [dreg:$0x0];
	s0 =	stileid.u32;
	s1 =	sand.u32 $0x10, s1  }
0x4: {  	s4 =	rddreg [dreg:$0x1];
	s7 =	simm.s32 $0x1;
	s1 =	sor.u32 s0, s1  }
0x5: {  	s8 =	simm.s32 $0x2;
	s9 =	simm.s32 $0x0;
	s3 =	sshll.u32 s1, $0x1  }
0x6: {  	s12 =	simm.s32 $0x0;
	s11 =	simm.s32 $0x0;
	s6 =	ssub.s32 $0x400, s3  }
.Ltmp0:
0x7: {  	s4 =	sadd.s32 $0xC00, s4;
	s5 =	sand.u32 $0x3E, s6;
	(pc) =	sbr.rel .LBB1_1-.Ltmp0, $4  }
0x8: {  	s1 =	rddreg [dreg:$0x2];
	_ =	strace $0x80000047;
	p0 =	sne.s32 s5, $0x0  }
0x9: {  	s6 =	sshrl.u32 s6, $0x6;
	s5 =	simm.s32 $0x1;
	s7 =	simm.s32 @!p0 $0x0  }
0xa: {  	s10 =	smov.u32 s3;
	[sflag:s5] =	ssyncpa.u1 $0x0;
	s6 =	sadd.s32 s7, s6  }
0xb: {  	[sflag:s8] =	ssyncpa.u1 $0x0;
	s8 =	simm.s32 $0x0;
	s7 =	sadd.s32 $0x1, s6  }
.LBB1_9:
0xc: {  	s14 =	sadd.s32 $0x40, s10  }
0xd: {  	p1 =	sgt.s32 s14, $0x3FF  }
0xe: {  	s14 =	smov.u32 @p1 s3;
	p1 =	sne.s32 s11, s7  }
.Ltmp1:
0xf: {  	p0 =	slt.u32 s11, $0x2;
	(pc) =	sbr.rel @!p1 .LBB1_10-.Ltmp1, $4  }
0x10: {  	s13 =	simm.s32 @!p0 $0x2  }
0x11: {  	s15 =	sadd.s32 $0x1, s11;
	_ =	swait.ge @!p0 [sflag:s13], $0x4000  }
0x12: {  	s12 =	smov.u32 s10;
	s9 =	sadd.s32 $0x4000, s9;
	[sflag:s13] =	ssyncset.done @!p0 $0x0  }
0x13: {  	s11 =	smov.u32 s15;
	s10 =	smov.u32 s14;
	[sflag:s13] =	ssyncadd.s32 @!p0 $0xFFFFC000  }
.LBB1_1:
0x14: {  	p0 =	sge.u32 s11, s6  }
0x15: {  	s13 =	sxor.u32 @!p0 $0xFFFFFFFF, s11  }
0x16: {  	s31 =	sadd.s32 $0xFFFFFFFF, s11;
	s14 =	sshll.u32 @!p0 s10, $0xA;
	s13 =	sshll.u32 @!p0 s13, $0xE  }
0x17: {  	s15 =	simm.s32 @!p0 $0x0;
	s14 =	sadd.s32 @!p0 s2, s14;
	s13 =	sand.u32 @!p0 $0x4000, s13  }
0x18: {  	[tilespmem:s13], [sflag:$0x1] =	stream.linear.gather @!p0 [hbm4b:s14+s15], $0x4000, $0x38;
	[tilespmem:$0x10000] =	vst v63  }
0x19: {  	p0 =	sge.u32 s31, s6  }
.Ltmp2:
0x1a: {  	_ = 	snop;
	(pc) =	sbr.rel @p0 .LBB1_9-.Ltmp2, $1  }
0x1b: {  	_ =	sdelay $0x3  }
0x1c: {  	s13 =	sshll.u32 s9, $0x2  }
0x1d: {  	_ =	swait.ge [sflag:s5], $0x4000;
	s14 =	sshll.u32 s11, $0xE;
	s16 =	simm.s32 $0x0  }
0x1e: {  	p1 =	por $0x1, $0x1;
	s13 =	sand.u32 $0x10000, s13;
	[sflag:s5] =	ssyncset.done $0x0  }
0x1f: {  	s14 =	sand.u32 $0x4000, s14;
	s15 =	sshrl.u32 s13, $0x2;
	[sflag:s5] =	ssyncadd.s32 $0xFFFFC000  }
0x20: {  	s13 =	sor.u32 $0x8000, s14;
	s14 =	sadd.s32 $0x8040, s15;
	s15 =	sadd.s32 $0x40, s15  }
.LBB1_3:
0x21: {  	s16 =	sshll.u32 s16, $0x2  }
0x22: {  	p0 =	por p1, p1;
	s17 =	sshra.s32 s16, $0x2  }
0x23: {  	s18 =	simm.s32 $0x0;
	s16 =	sadd.s32 s17, s14;
	s17 =	sadd.s32 s17, s15  }
.LBB1_4:
0x24: {  	v0 =	vmov s17;
	_ =	sdelay $0x3  }
0x25: {  	s20 =	simm.s32 $0x0  }
0x26: {  	v6 =	vld.idx.msk [tilespmem:v0+s20+$0x30 ss:$0x1], $0xffff  }
0x27: {  	v7 =	vld.idx.msk [tilespmem:v0+s20+$0xFFFFFFC0 ss:$0x1], $0xffff  }
0x28: {  	v5 =	vld.idx.msk [tilespmem:v0+s20+$0xFFFFFFD0 ss:$0x1], $0xffff  }
0x29: {  	v4 =	vld.idx.msk [tilespmem:v0+s20+$0xFFFFFFE0 ss:$0x1], $0xffff  }
0x2a: {  	v3 =	vld.idx.msk [tilespmem:v0+s20+$0xFFFFFFF0 ss:$0x1], $0xffff  }
0x2b: {  	v1 =	vld.idx.msk [tilespmem:v0+s20+$0x0 ss:$0x1], $0xffff  }
0x2c: {  	v2 =	vld.idx.msk [tilespmem:v0+s20+$0x10 ss:$0x1], $0xffff;
	[tilespmem:s16+$0x30] =	vst v6  }
0x2d: {  	s19 =	simm.s32 $0x80;
	s21 =	simm.s32 $0x400;
	[tilespmem:s16+$0xFFFFFFC0] =	vst v7;
	v6 =	vld.idx.msk [tilespmem:v0+s20+$0x20 ss:$0x1], $0xffff;
	s20 =	smov.u32 s16  }
.LBB1_5:
0x2e: {  	p1 =	sne.s32 s21, $0xE00;
	v7 =	vld.idx.msk [tilespmem:v0+s19+$0x30 ss:$0x1], $0xffff;
	[tilespmem:s20+$0xFFFFFFD0] =	vst v5  }
0x2f: {  	v8 =	vld.idx.msk [tilespmem:v0+s19+$0xFFFFFFC0 ss:$0x1], $0xffff;
	[tilespmem:s20+$0xFFFFFFE0] =	vst v4  }
0x30: {  	v5 =	vld.idx.msk [tilespmem:v0+s19+$0xFFFFFFD0 ss:$0x1], $0xffff;
	[tilespmem:s20+$0xFFFFFFF0] =	vst v3  }
.Ltmp3:
0x31: {  	v4 =	vld.idx.msk [tilespmem:v0+s19+$0xFFFFFFE0 ss:$0x1], $0xffff;
	[tilespmem:s20+$0x0] =	vst v1;
	(pc) =	sbr.rel @p1 .LBB1_5-.Ltmp3, $4  }
0x32: {  	v3 =	vld.idx.msk [tilespmem:v0+s19+$0xFFFFFFF0 ss:$0x1], $0xffff;
	[tilespmem:s20+$0x10] =	vst v2  }
0x33: {  	v1 =	vld.idx.msk [tilespmem:v0+s19+$0x0 ss:$0x1], $0xffff;
	[tilespmem:s20+$0x20] =	vst v6;
	s20 =	sadd.s32 $0x400, s20  }
0x34: {  	v2 =	vld.idx.msk [tilespmem:v0+s19+$0x10 ss:$0x1], $0xffff;
	[tilespmem:s20+$0x30] =	vst v7  }
0x35: {  	[tilespmem:s20+$0xFFFFFFC0] =	vst v8;
	v6 =	vld.idx.msk [tilespmem:v0+s19+$0x20 ss:$0x1], $0xffff;
	s19 =	sshra.s32 s21, $0x2;
	s21 =	sadd.s32 $0x200, s21  }
0x36: {  	_ =	sdelay $0x2  }
0x37: {  	[tilespmem:s20+$0xFFFFFFD0] =	vst v5  }
0x38: {  	v56 =	vld.idx.msk [tilespmem:v0+s19+$0x30 ss:$0x1], $0xffff;
	[tilespmem:s20+$0xFFFFFFE0] =	vst v4  }
0x39: {  	v57 =	vld.idx.msk [tilespmem:v0+s19+$0xFFFFFFC0 ss:$0x1], $0xffff;
	[tilespmem:s20+$0xFFFFFFF0] =	vst v3  }
0x3a: {  	v58 =	vld.idx.msk [tilespmem:v0+s19+$0xFFFFFFD0 ss:$0x1], $0xffff;
	[tilespmem:s20+$0x0] =	vst v1  }
0x3b: {  	v59 =	vld.idx.msk [tilespmem:v0+s19+$0xFFFFFFE0 ss:$0x1], $0xffff;
	[tilespmem:s20+$0x10] =	vst v2  }
0x3c: {  	v60 =	vld.idx.msk [tilespmem:v0+s19+$0xFFFFFFF0 ss:$0x1], $0xffff;
	s31 =	sadd.s32 $0x400, s20;
	[tilespmem:s20+$0x20] =	vst v6  }
0x3d: {  	v61 =	vld.idx.msk [tilespmem:v0+s19+$0x0 ss:$0x1], $0xffff;
	[tilespmem:s31+$0x30] =	vst v56  }
0x3e: {  	v62 =	vld.idx.msk [tilespmem:v0+s19+$0x10 ss:$0x1], $0xffff;
	s18 =	sadd.s32 $0x1, s18;
	[tilespmem:s31+$0xFFFFFFC0] =	vst v57  }
0x3f: {  	v63 =	vld.idx.msk [tilespmem:v0+s19+$0x20 ss:$0x1], $0xffff;
	p1 =	sne.s32 s18, $0x8;
	[tilespmem:s31+$0xFFFFFFD0] =	vst v58  }
.Ltmp4:
0x40: {  	[tilespmem:s31+$0xFFFFFFE0] =	vst v59;
	(pc) =	sbr.rel @p1 .LBB1_4-.Ltmp4, $4  }
0x41: {  	[tilespmem:s31+$0xFFFFFFF0] =	vst v60  }
0x42: {  	[tilespmem:s31+$0x0] =	vst v61  }
0x43: {  	[tilespmem:s31+$0x10] =	vst v62  }
0x44: {  	s16 =	sadd.s32 $0x80, s16;
	s17 =	sadd.s32 $0x400, s17;
	[tilespmem:s31+$0x20] =	vst v63  }
.Ltmp5:
0x45: {  	(pc) =	sbr.rel @p0 .LBB1_3-.Ltmp5, $2  }
0x46: {  	_ =	sdelay $0x2  }
0x47: {  	s16 =	simm.s32 $0x2000;
	p1 =	por $0x0, $0x0  }
.Ltmp6:
0x48: {  	(pc) =	sbr.rel .LBB1_9-.Ltmp6, $4  }
0x49: {  	_ = 	snop  }
0x4a: {  	s12 =	sshll.u32 s12, $0xA  }
0x4b: {  	s12 =	sadd.s32 s4, s12  }
0x4c: {  	[hbm4b:s12+s8] =	stream.linear.scatter [tilespmem:s13], [sflag:$0x2], $0x4000, $0x38;
	[tilespmem:$0x10000] =	vst v63  }
.LBB1_10:
0x4d: {  	_ =	sfence.sel $0x180000  }
0x4e: {  	s2 =	simm.s32 $0x1;
	[bflag:$0x0] =	sbarrier.arrive $0xFFFF  }
0x4f: {  	s31 =	simm.s32 $0x2;
	[sflag:s2] =	ssyncpa.u1 $0x1  }
0x50: {  	[sflag:s31] =	ssyncpa.u1 $0x1  }
0x51: {  	p0 =	sne.s32 s0, $0x0;
	_ =	strace $0x90000047  }
0x52: {  	s0 =	sadd.s32 @!p0 $0x100000, s1;
	[bflag:$0x2] =	sbarrier.arrive $0xFFFF  }
0x53: {  	[sflag:s0] =	ssyncadd.tile.s32 @!p0 $0x1;
	_ =	shalt  }
.Lfunc_end1:
_tile_overlayer_lowered:
.L_overlay_start_2:
0x54: {  	(tag) =	ssettag $0x2  }
0x55: {  	s0 =	rddreg [dreg:$0x0];
	s2 =	stileid.u32  }
0x56: {  	s1 =	rddreg [dreg:$0x1];
	p0 =	sne.s32 s2, $0x0  }
0x57: {  	s3 =	rddreg [dreg:$0x2];
	[bflag:$0x3] =	sbarrier.arrive $0xFFFF;
	s2 =	simm.s32 @!p0 $0x1C01  }
0x58: {  	[timem:s3], [sflag:s2] =	dma.local @!p0 [hbm:s0], s1  }
0x59: {  	s0 =	simm.s32 @!p0 $0x1  }
0x5a: {  	_ =	swait.ge @!p0 [sflag:s0], s1  }
0x5b: {  	s1 =	ssub.s32 @!p0 $0x0, s1;
	[sflag:s0] =	ssyncset.done @!p0 $0x0  }
0x5c: {  	[sflag:s0] =	ssyncadd.s32 @!p0 s1  }
0x5d: {  	[bflag:$0x3] =	sbarrier.arrive $0xFFFF  }
0x5e: {  	_ =	shalt  }

</sc_bundles>
